<compile_context>
chip_gen: v7x
topology: tpu7x:2x2x1
jax: 0.10.2.dev20260603
libtpu: 0.0.44.dev20260713+nightly
codegen_flags: <defaults>
</compile_context>

<pallas_src>
import functools

import jax
import jax.numpy as jnp
from jax import lax
from jax.experimental import pallas as pl
from jax.experimental.pallas import tpu as pltpu
from jax.experimental.pallas import tpu_sc as plsc

F32 = jnp.float32
I32 = jnp.int32

NC = 2
NS = 16
L = 16
NW = NC * NS


def _ta_body(blk, x_ref, p_ref, t0_ref, t1_ref):
    i = pl.program_id(0)
    t2 = lax.dot_general(p_ref[...], x_ref[...],
                         dimension_numbers=(((0,), (1,)), ((), ())),
                         preferred_element_type=F32)
    t0_ref[pl.ds(i * blk, blk)] = t2[0]
    t1_ref[pl.ds(i * blk, blk)] = t2[1]


def _pass_a(x, P, blk, lo, n):
    _, F = x.shape
    lob = lo // blk
    return pl.pallas_call(
        functools.partial(_ta_body, blk),
        grid=(n // blk,),
        in_specs=[pl.BlockSpec((blk, F), lambda i: (i + lob, 0)),
                  pl.BlockSpec((F, 2), lambda i: (0, 0))],
        out_specs=[pl.BlockSpec((n,), lambda i: (0,)),
                   pl.BlockSpec((n,), lambda i: (0,))],
        out_shape=[jax.ShapeDtypeStruct((n,), F32),
                   jax.ShapeDtypeStruct((n,), F32)],
    )(x, P)


def _softplus_sc(d):
    em = jnp.exp(-jnp.abs(d))
    c0 = 9.083788232722156e-08
    c1 = 0.9999914545712587
    c2 = -0.4998011631982449
    c3 = 0.3313340056963641
    c4 = -0.23919071724140456
    c5 = 0.16478349717425894
    c6 = -0.09231376856355894
    c7 = 0.034418593475457344
    c8 = -0.006074877636850452
    lg = c0 + em * (c1 + em * (c2 + em * (c3 + em * (c4 + em * (c5 + em *
         (c6 + em * (c7 + em * c8)))))))
    return jnp.maximum(d, 0.0) + lg


def _sc1(t0, t1, seg, kap0, kap1, kapc):
    N = seg.shape[0]
    B = kap0.shape[0]
    C = N // NW
    W = C // L
    mesh = plsc.VectorSubcoreMesh(core_axis_name="c", subcore_axis_name="s")

    @functools.partial(
        pl.kernel,
        out_type=(jax.ShapeDtypeStruct((N,), F32),
                  jax.ShapeDtypeStruct((NW, B), F32)),
        mesh=mesh,
        compiler_params=pltpu.CompilerParams(needs_layout_passes=False),
        scratch_types=[
            pltpu.VMEM((C,), F32),
            pltpu.VMEM((C,), F32),
            pltpu.VMEM((C,), I32),
            pltpu.VMEM((C,), F32),
            pltpu.VMEM((L * B,), F32),
            pltpu.VMEM((B,), F32),
            pltpu.VMEM((B,), F32),
            pltpu.VMEM((B,), F32),
            pltpu.VMEM((B,), F32),
            pltpu.SemaphoreType.DMA,
        ],
    )
    def k(t0_hbm, t1_hbm, seg_hbm, k0_hbm, k1_hbm, kc_hbm, a_hbm, part_hbm,
          t0_v, t1_v, seg_v, a_v, p2_v, k0_v, k1_v, kc_v, an_v, dsem):
        w = lax.axis_index("s") * NC + lax.axis_index("c")
        base = w * C
        cps = [pltpu.async_copy(t0_hbm.at[pl.ds(base, C)], t0_v, dsem),
               pltpu.async_copy(t1_hbm.at[pl.ds(base, C)], t1_v, dsem),
               pltpu.async_copy(seg_hbm.at[pl.ds(base, C)], seg_v, dsem),
               pltpu.async_copy(k0_hbm, k0_v, dsem),
               pltpu.async_copy(k1_hbm, k1_v, dsem),
               pltpu.async_copy(kc_hbm, kc_v, dsem)]

        lane = lax.iota(I32, L)
        laneB = lane * B
        zero = jnp.zeros((L,), F32)

        def zero_body(q, _):
            p2_v[pl.ds(q * L, L)] = zero
            return 0
        lax.fori_loop(0, (L * B) // L, zero_body, 0)
        for cp in cps:
            cp.wait()

        def body(io, _):
            for u in range(5):
                i = io * 5 + u
                sl = pl.ds(i * L, L)
                s = seg_v[sl]
                d = (plsc.load_gather(k0_v, [s]) * t0_v[sl]
                     + plsc.load_gather(k1_v, [s]) * t1_v[sl]
                     + plsc.load_gather(kc_v, [s]))
                a = _softplus_sc(d)
                a_v[sl] = a
                rot = jnp.bitwise_and(lane + i, L - 1) * B
                plsc.addupdate_scatter(p2_v, [rot + s], a)
            return 0
        lax.fori_loop(0, W // 5, body, 0)

        def red_body(g, _):
            acc = zero
            for j in range(L):
                acc = acc + p2_v[pl.ds(j * B + g * L, L)]
            an_v[pl.ds(g * L, L)] = acc
            return 0
        lax.fori_loop(0, B // L, red_body, 0)

        pltpu.sync_copy(a_v, a_hbm.at[pl.ds(base, C)])
        pltpu.sync_copy(an_v, part_hbm.at[w])

    return k(t0, t1, seg, kap0, kap1, kapc)


def _sc2(a, seg, part, e0, e1, epsv):
    N = seg.shape[0]
    B = e0.shape[0]
    NP = part.shape[0]
    C = N // NW
    W = C // L
    mesh = plsc.VectorSubcoreMesh(core_axis_name="c", subcore_axis_name="s")

    @functools.partial(
        pl.kernel,
        out_type=(jax.ShapeDtypeStruct((N,), F32),
                  jax.ShapeDtypeStruct((N,), F32)),
        mesh=mesh,
        compiler_params=pltpu.CompilerParams(needs_layout_passes=False),
        scratch_types=[
            pltpu.VMEM((NP, B), F32),
            pltpu.VMEM((B,), F32),
            pltpu.VMEM((B,), F32),
            pltpu.VMEM((B,), F32),
            pltpu.VMEM((L,), F32),
            pltpu.VMEM((C,), F32),
            pltpu.VMEM((C,), I32),
            pltpu.VMEM((C,), F32),
            pltpu.VMEM((C,), F32),
            pltpu.SemaphoreType.DMA,
        ],
    )
    def k(a_hbm, seg_hbm, part_hbm, e0_hbm, e1_hbm, eps_hbm,
          g0_hbm, g1_hbm,
          part_v, rn_v, e0_v, e1_v, eps_v, a_v, seg_v, g0_v, g1_v, dsem):
        w = lax.axis_index("s") * NC + lax.axis_index("c")
        base = w * C
        cps = [pltpu.async_copy(part_hbm, part_v, dsem),
               pltpu.async_copy(e0_hbm, e0_v, dsem),
               pltpu.async_copy(e1_hbm, e1_v, dsem),
               pltpu.async_copy(eps_hbm, eps_v, dsem),
               pltpu.async_copy(a_hbm.at[pl.ds(base, C)], a_v, dsem),
               pltpu.async_copy(seg_hbm.at[pl.ds(base, C)], seg_v, dsem)]
        for cp in cps:
            cp.wait()

        epse = eps_v[...]

        def red_body(g, _):
            acc = jnp.zeros((L,), F32)
            for j in range(NP):
                acc = acc + part_v[j, pl.ds(g * L, L)]
            rn_v[pl.ds(g * L, L)] = 1.0 / (acc + epse)
            return 0
        lax.fori_loop(0, B // L, red_body, 0)

        def body(io, _):
            for u in range(5):
                i = io * 5 + u
                sl = pl.ds(i * L, L)
                s = seg_v[sl]
                wgt = a_v[sl] * plsc.load_gather(rn_v, [s])
                g0_v[sl] = wgt * plsc.load_gather(e0_v, [s])
                g1_v[sl] = wgt * plsc.load_gather(e1_v, [s])
            return 0
        lax.fori_loop(0, W // 5, body, 0)

        pltpu.sync_copy(g0_v, g0_hbm.at[pl.ds(base, C)])
        pltpu.sync_copy(g1_v, g1_hbm.at[pl.ds(base, C)])

    return k(a, seg, part, e0, e1, epsv)


def _tb_body(blk, g0_ref, g1_ref, wv_ref, w1_ref, w2_ref, o_ref):
    i = pl.program_id(0)
    wv = wv_ref[...]
    g0r = g0_ref[pl.ds(i * blk, blk)].reshape(1, blk)
    g1r = g1_ref[pl.ds(i * blk, blk)].reshape(1, blk)
    dn = (((0,), (0,)), ((), ()))
    bf = jnp.bfloat16
    h = (lax.dot_general(g0r.astype(bf), wv[0:1, :].astype(bf), dn,
                         preferred_element_type=F32)
         + lax.dot_general(g1r.astype(bf), wv[1:2, :].astype(bf), dn,
                           preferred_element_type=F32))
    hb = h.astype(bf)
    half = jnp.asarray(0.5, bf)
    one = jnp.asarray(1.0, bf)
    sh = (half * hb) * (one + jnp.tanh(half * hb))
    r = jnp.dot(sh, w1_ref[...],
                preferred_element_type=F32).astype(bf)
    sr = (half * r) * (one + jnp.tanh(half * r))
    res = jnp.dot(sr, w2_ref[...], preferred_element_type=F32)
    o_ref[...] = h + res


def _pass_b(g0, g1, WvT, W1T, W2T, blk, ntot, row_lo):
    n = g0.shape[0]
    F = W1T.shape[0]
    W1T = W1T.astype(jnp.bfloat16)
    W2T = W2T.astype(jnp.bfloat16)
    lob = row_lo // blk
    return pl.pallas_call(
        functools.partial(_tb_body, blk),
        grid=(n // blk,),
        in_specs=[pl.BlockSpec((n,), lambda i: (0,)),
                  pl.BlockSpec((n,), lambda i: (0,)),
                  pl.BlockSpec((2, F), lambda i: (0, 0)),
                  pl.BlockSpec((F, F), lambda i: (0, 0)),
                  pl.BlockSpec((F, F), lambda i: (0, 0))],
        out_specs=pl.BlockSpec((blk, F), lambda i: (i + lob, 0)),
        out_shape=jax.ShapeDtypeStruct((ntot, F), F32),
    )(g0, g1, WvT, W1T, W2T)


def kernel(x, E, num_batch, batch_seg, Wq, bq, Wk, Wv, W1, W2, eps):
    N, F = x.shape
    del num_batch

    e = jax.nn.relu(jnp.stack([E, -E], axis=-1))
    ak = e / jnp.maximum(e, 1.0)
    inv = 1.0 / jnp.sqrt(jnp.asarray(F, F32))
    P = Wq.T @ Wk
    cb = bq @ Wk
    kap0 = ak[:, 0] * inv
    kap1 = ak[:, 1] * inv
    kapc = (ak[:, 0] * cb[0] + ak[:, 1] * cb[1]) * inv
    e0 = e[:, 0]
    e1 = e[:, 1]
    epsv = jnp.full((L,), eps, F32)
    seg = batch_seg.astype(I32)

    t0, t1 = _pass_a(x, P, 12800, 0, N)
    a, part = _sc1(t0, t1, seg, kap0, kap1, kapc)
    g0, g1 = _sc2(a, seg, part, e0, e1, epsv)
    out = _pass_b(g0, g1, Wv.T, W1.T, W2.T, 16000, N, 0)
    return out

# --- scband reference (transcript-rebuilt; emitter-appended) ---
"""Pipeline reference for scband-electronic-embedding-61022895342002 (READ-ONLY COPY).

The authoritative reference and input builder live on the scoring server;
editing this copy changes nothing except your own understanding.
"""

import jax, jax.numpy as jnp
import numpy as np

N, F, B = 320000, 128, 1024

def setup_inputs(seed: int = 0) -> dict:
    key = jax.random.key(seed)
    ks = jax.random.split(key, 9)
    x = jax.random.normal(ks[0], (N, F), dtype=jnp.float32)
    E = jax.random.normal(ks[1], (B,), dtype=jnp.float32)
    batch_seg = jnp.sort(jax.random.randint(ks[2], (N,), 0, B)).astype(jnp.int32)
    Wq = jax.random.normal(ks[3], (F, F), dtype=jnp.float32) * 0.05
    bq = jnp.zeros((F,), dtype=jnp.float32)
    Wk = jax.random.normal(ks[4], (F, 2), dtype=jnp.float32) * 0.5
    Wv = jax.random.normal(ks[5], (F, 2), dtype=jnp.float32) * 0.5
    W1 = jax.random.normal(ks[6], (F, F), dtype=jnp.float32) * 0.05
    W2 = jax.random.normal(ks[7], (F, F), dtype=jnp.float32) * 0.05
    return {"x": x, "E": E, "num_batch": B, "batch_seg": batch_seg,
            "Wq": Wq, "bq": bq, "Wk": Wk, "Wv": Wv, "W1": W1, "W2": W2,
            "eps": 1e-8}

def reference(x, E, num_batch, batch_seg, Wq, bq, Wk, Wv, W1, W2, eps=1e-8):
    # q = linear_q(x)
    q = x @ Wq.T + bq
    # e = relu(stack([E, -E]))
    e = jax.nn.relu(jnp.stack([E, -E], axis=-1))  # [B, 2]
    enorm = jnp.maximum(e, jnp.ones_like(e))
    k = ((e / enorm) @ Wk.T)[batch_seg]  # gather per-atom keys [N, F]
    v = (e @ Wv.T)[batch_seg]            # gather per-atom values [N, F]
    dot = jnp.sum(k * q, axis=-1) / jnp.sqrt(jnp.asarray(k.shape[-1], dtype=x.dtype))
    a = jax.nn.softplus(dot)             # [N]
    # anorm = zeros(num_batch).index_add(0, batch_seg, a)  -> segment_sum
    eps = eps + (num_batch - num_batch)
    anorm = jax.ops.segment_sum(a, batch_seg, num_segments=E.shape[0])
    anorm_per_atom = anorm[batch_seg]
    attn_weights = (a / (anorm_per_atom + eps))[:, None]
    h = attn_weights * v
    # ResidualMLP, num_residual=1, swish activation, no bias
    res = jax.nn.silu(jax.nn.silu(h) @ W1.T) @ W2.T
    out = h + res
    return out

if __name__ == "__main__":
    import jax
    _d = setup_inputs()
    print(jax.jit(kernel)(*tuple(_d.values())))

</pallas_src>

<mosaic_0001>
#map = affine_map<(d0, d1) -> (0)>
#map1 = affine_map<(d0, d1) -> (0, 0)>
module attributes {stable_mosaic.version = 14 : i64} {
  func.func @k(%arg0: i32, %arg1: i32, %arg2: memref<320000xf32, #tpu.memory_space<hbm>>, %arg3: memref<320000xi32, #tpu.memory_space<hbm>>, %arg4: memref<32x1024xf32, #tpu.memory_space<hbm>>, %arg5: memref<1024xf32, #tpu.memory_space<hbm>>, %arg6: memref<1024xf32, #tpu.memory_space<hbm>>, %arg7: memref<16xf32, #tpu.memory_space<hbm>>, %arg8: memref<320000xf32, #tpu.memory_space<hbm>>, %arg9: memref<320000xf32, #tpu.memory_space<hbm>>, %arg10: memref<32x1024xf32, #tpu.memory_space<vmem>>, %arg11: memref<1024xf32, #tpu.memory_space<vmem>>, %arg12: memref<1024xf32, #tpu.memory_space<vmem>>, %arg13: memref<1024xf32, #tpu.memory_space<vmem>>, %arg14: memref<16xf32, #tpu.memory_space<vmem>>, %arg15: memref<10000xf32, #tpu.memory_space<vmem>>, %arg16: memref<10000xi32, #tpu.memory_space<vmem>>, %arg17: memref<10000xf32, #tpu.memory_space<vmem>>, %arg18: memref<10000xf32, #tpu.memory_space<vmem>>, %arg19: memref<!tpu.dma_semaphore, #tpu.memory_space<semaphore_mem>>) attributes {dimension_semantics = [#tpu.dimension_semantics<core_parallel>, #tpu.dimension_semantics<subcore_parallel>], iteration_bounds = array<i64: 2, 16>, scalar_prefetch = 0 : i64, scratch_operands = 10 : i64, tpu.core_type = #tpu.core_type<sc_vector_subcore>, window_params = [{transform_indices = #map}, {transform_indices = #map}, {transform_indices = #map1}, {transform_indices = #map}, {transform_indices = #map}, {transform_indices = #map}, {transform_indices = #map}, {transform_indices = #map}]} {
    %mul3A = arith.constant 2 : i32
    %mul3A_0 = arith.muli %arg1, %mul3A : i32
    %add3A = arith.addi %mul3A_0, %arg0 : i32
    %mul3A_1 = arith.constant 10000 : i32
    %mul3A_2 = arith.muli %add3A, %mul3A_1 : i32
    tpu.enqueue_dma source(%arg4 : memref<32x1024xf32, #tpu.memory_space<hbm>>) target(%arg10 : memref<32x1024xf32, #tpu.memory_space<vmem>>) target_semaphore(%arg19 : memref<!tpu.dma_semaphore, #tpu.memory_space<semaphore_mem>>)
    tpu.enqueue_dma source(%arg5 : memref<1024xf32, #tpu.memory_space<hbm>>) target(%arg12 : memref<1024xf32, #tpu.memory_space<vmem>>) target_semaphore(%arg19 : memref<!tpu.dma_semaphore, #tpu.memory_space<semaphore_mem>>)
    tpu.enqueue_dma source(%arg6 : memref<1024xf32, #tpu.memory_space<hbm>>) target(%arg13 : memref<1024xf32, #tpu.memory_space<vmem>>) target_semaphore(%arg19 : memref<!tpu.dma_semaphore, #tpu.memory_space<semaphore_mem>>)
    tpu.enqueue_dma source(%arg7 : memref<16xf32, #tpu.memory_space<hbm>>) target(%arg14 : memref<16xf32, #tpu.memory_space<vmem>>) target_semaphore(%arg19 : memref<!tpu.dma_semaphore, #tpu.memory_space<semaphore_mem>>)
    %dma_start3A = tpu.memref_slice %arg2[%mul3A_2] : memref<320000xf32, #tpu.memory_space<hbm>> -> memref<10000xf32, #tpu.memory_space<hbm>>
    %dma_start3A_3 = tpu.memref_slice %arg2[%mul3A_2] : memref<320000xf32, #tpu.memory_space<hbm>> -> memref<10000xf32, #tpu.memory_space<hbm>>
    tpu.enqueue_dma source(%dma_start3A_3 : memref<10000xf32, #tpu.memory_space<hbm>>) target(%arg15 : memref<10000xf32, #tpu.memory_space<vmem>>) target_semaphore(%arg19 : memref<!tpu.dma_semaphore, #tpu.memory_space<semaphore_mem>>)
    %dma_start3A_4 = tpu.memref_slice %arg3[%mul3A_2] : memref<320000xi32, #tpu.memory_space<hbm>> -> memref<10000xi32, #tpu.memory_space<hbm>>
    %dma_start3A_5 = tpu.memref_slice %arg3[%mul3A_2] : memref<320000xi32, #tpu.memory_space<hbm>> -> memref<10000xi32, #tpu.memory_space<hbm>>
    tpu.enqueue_dma source(%dma_start3A_5 : memref<10000xi32, #tpu.memory_space<hbm>>) target(%arg16 : memref<10000xi32, #tpu.memory_space<vmem>>) target_semaphore(%arg19 : memref<!tpu.dma_semaphore, #tpu.memory_space<semaphore_mem>>)
    tpu.wait_dma2 semaphore(%arg19 : memref<!tpu.dma_semaphore, #tpu.memory_space<semaphore_mem>>) src(%arg4 : memref<32x1024xf32, #tpu.memory_space<hbm>>) dst(%arg10 : memref<32x1024xf32, #tpu.memory_space<vmem>>)
    tpu.wait_dma2 semaphore(%arg19 : memref<!tpu.dma_semaphore, #tpu.memory_space<semaphore_mem>>) src(%arg5 : memref<1024xf32, #tpu.memory_space<hbm>>) dst(%arg12 : memref<1024xf32, #tpu.memory_space<vmem>>)
    tpu.wait_dma2 semaphore(%arg19 : memref<!tpu.dma_semaphore, #tpu.memory_space<semaphore_mem>>) src(%arg6 : memref<1024xf32, #tpu.memory_space<hbm>>) dst(%arg13 : memref<1024xf32, #tpu.memory_space<vmem>>)
    tpu.wait_dma2 semaphore(%arg19 : memref<!tpu.dma_semaphore, #tpu.memory_space<semaphore_mem>>) src(%arg7 : memref<16xf32, #tpu.memory_space<hbm>>) dst(%arg14 : memref<16xf32, #tpu.memory_space<vmem>>)
    %dma_wait3A = tpu.memref_slice %arg2[%mul3A_2] : memref<320000xf32, #tpu.memory_space<hbm>> -> memref<10000xf32, #tpu.memory_space<hbm>>
    %dma_wait3A_6 = tpu.memref_slice %arg2[%mul3A_2] : memref<320000xf32, #tpu.memory_space<hbm>> -> memref<10000xf32, #tpu.memory_space<hbm>>
    tpu.wait_dma2 semaphore(%arg19 : memref<!tpu.dma_semaphore, #tpu.memory_space<semaphore_mem>>) src(%dma_wait3A_6 : memref<10000xf32, #tpu.memory_space<hbm>>) dst(%arg15 : memref<10000xf32, #tpu.memory_space<vmem>>)
    %dma_wait3A_7 = tpu.memref_slice %arg3[%mul3A_2] : memref<320000xi32, #tpu.memory_space<hbm>> -> memref<10000xi32, #tpu.memory_space<hbm>>
    %dma_wait3A_8 = tpu.memref_slice %arg3[%mul3A_2] : memref<320000xi32, #tpu.memory_space<hbm>> -> memref<10000xi32, #tpu.memory_space<hbm>>
    tpu.wait_dma2 semaphore(%arg19 : memref<!tpu.dma_semaphore, #tpu.memory_space<semaphore_mem>>) src(%dma_wait3A_8 : memref<10000xi32, #tpu.memory_space<hbm>>) dst(%arg16 : memref<10000xi32, #tpu.memory_space<vmem>>)
    %get3A = arith.constant 0 : index
    %get3A_9 = tpu.vector_load %arg14[%get3A] {strides = array<i32>} : memref<16xf32, #tpu.memory_space<vmem>>, vector<16xf32>,
    %scan3A = arith.constant 0 : i32
    %scan3A_10 = arith.constant 0 : i32
    %scan3A_11 = arith.constant 64 : i32
    %scan3A_12 = arith.addi %scan3A_10, %scan3A_11 : i32
    %scan3A_13 = arith.constant 1 : i32
    %scan3A_14 = scf.for %scan3A_23 = %scan3A_10 to %scan3A_12 step %scan3A_13 iter_args(%scan3A_24 = %scan3A) -> (i32)  : i32 {
      %broadcast_in_dim3A = arith.constant 0.000000e+00 : f32
      %broadcast_in_dim3A_25 = vector.broadcast %broadcast_in_dim3A : f32 to vector<16xf32>
      %mul3A_26 = arith.constant 16 : i32
      %mul3A_27 = arith.muli %scan3A_23, %mul3A_26 : i32
      %get3A_28 = arith.constant 0 : i32
      %get3A_29 = arith.index_cast %get3A_28 : i32 to index
      %get3A_30 = arith.index_cast %mul3A_27 : i32 to index
      %get3A_31 = tpu.vector_load %arg10[%get3A_29, %get3A_30] {strides = array<i32>} : memref<32x1024xf32, #tpu.memory_space<vmem>>, vector<16xf32>,
      %add3A_32 = arith.addf %broadcast_in_dim3A_25, %get3A_31 : vector<16xf32>
      %mul3A_33 = arith.constant 16 : i32
      %mul3A_34 = arith.muli %scan3A_23, %mul3A_33 : i32
      %get3A_35 = arith.constant 1 : i32
      %get3A_36 = arith.index_cast %get3A_35 : i32 to index
      %get3A_37 = arith.index_cast %mul3A_34 : i32 to index
      %get3A_38 = tpu.vector_load %arg10[%get3A_36, %get3A_37] {strides = array<i32>} : memref<32x1024xf32, #tpu.memory_space<vmem>>, vector<16xf32>,
      %add3A_39 = arith.addf %add3A_32, %get3A_38 : vector<16xf32>
      %mul3A_40 = arith.constant 16 : i32
      %mul3A_41 = arith.muli %scan3A_23, %mul3A_40 : i32
      %get3A_42 = arith.constant 2 : i32
      %get3A_43 = arith.index_cast %get3A_42 : i32 to index
      %get3A_44 = arith.index_cast %mul3A_41 : i32 to index
      %get3A_45 = tpu.vector_load %arg10[%get3A_43, %get3A_44] {strides = array<i32>} : memref<32x1024xf32, #tpu.memory_space<vmem>>, vector<16xf32>,
      %add3A_46 = arith.addf %add3A_39, %get3A_45 : vector<16xf32>
      %mul3A_47 = arith.constant 16 : i32
      %mul3A_48 = arith.muli %scan3A_23, %mul3A_47 : i32
      %get3A_49 = arith.constant 3 : i32
      %get3A_50 = arith.index_cast %get3A_49 : i32 to index
      %get3A_51 = arith.index_cast %mul3A_48 : i32 to index
      %get3A_52 = tpu.vector_load %arg10[%get3A_50, %get3A_51] {strides = array<i32>} : memref<32x1024xf32, #tpu.memory_space<vmem>>, vector<16xf32>,
      %add3A_53 = arith.addf %add3A_46, %get3A_52 : vector<16xf32>
      %mul3A_54 = arith.constant 16 : i32
      %mul3A_55 = arith.muli %scan3A_23, %mul3A_54 : i32
      %get3A_56 = arith.constant 4 : i32
      %get3A_57 = arith.index_cast %get3A_56 : i32 to index
      %get3A_58 = arith.index_cast %mul3A_55 : i32 to index
      %get3A_59 = tpu.vector_load %arg10[%get3A_57, %get3A_58] {strides = array<i32>} : memref<32x1024xf32, #tpu.memory_space<vmem>>, vector<16xf32>,
      %add3A_60 = arith.addf %add3A_53, %get3A_59 : vector<16xf32>
      %mul3A_61 = arith.constant 16 : i32
      %mul3A_62 = arith.muli %scan3A_23, %mul3A_61 : i32
      %get3A_63 = arith.constant 5 : i32
      %get3A_64 = arith.index_cast %get3A_63 : i32 to index
      %get3A_65 = arith.index_cast %mul3A_62 : i32 to index
      %get3A_66 = tpu.vector_load %arg10[%get3A_64, %get3A_65] {strides = array<i32>} : memref<32x1024xf32, #tpu.memory_space<vmem>>, vector<16xf32>,
      %add3A_67 = arith.addf %add3A_60, %get3A_66 : vector<16xf32>
      %mul3A_68 = arith.constant 16 : i32
      %mul3A_69 = arith.muli %scan3A_23, %mul3A_68 : i32
      %get3A_70 = arith.constant 6 : i32
      %get3A_71 = arith.index_cast %get3A_70 : i32 to index
      %get3A_72 = arith.index_cast %mul3A_69 : i32 to index
      %get3A_73 = tpu.vector_load %arg10[%get3A_71, %get3A_72] {strides = array<i32>} : memref<32x1024xf32, #tpu.memory_space<vmem>>, vector<16xf32>,
      %add3A_74 = arith.addf %add3A_67, %get3A_73 : vector<16xf32>
      %mul3A_75 = arith.constant 16 : i32
      %mul3A_76 = arith.muli %scan3A_23, %mul3A_75 : i32
      %get3A_77 = arith.constant 7 : i32
      %get3A_78 = arith.index_cast %get3A_77 : i32 to index
      %get3A_79 = arith.index_cast %mul3A_76 : i32 to index
      %get3A_80 = tpu.vector_load %arg10[%get3A_78, %get3A_79] {strides = array<i32>} : memref<32x1024xf32, #tpu.memory_space<vmem>>, vector<16xf32>,
      %add3A_81 = arith.addf %add3A_74, %get3A_80 : vector<16xf32>
      %mul3A_82 = arith.constant 16 : i32
      %mul3A_83 = arith.muli %scan3A_23, %mul3A_82 : i32
      %get3A_84 = arith.constant 8 : i32
      %get3A_85 = arith.index_cast %get3A_84 : i32 to index
      %get3A_86 = arith.index_cast %mul3A_83 : i32 to index
      %get3A_87 = tpu.vector_load %arg10[%get3A_85, %get3A_86] {strides = array<i32>} : memref<32x1024xf32, #tpu.memory_space<vmem>>, vector<16xf32>,
      %add3A_88 = arith.addf %add3A_81, %get3A_87 : vector<16xf32>
      %mul3A_89 = arith.constant 16 : i32
      %mul3A_90 = arith.muli %scan3A_23, %mul3A_89 : i32
      %get3A_91 = arith.constant 9 : i32
      %get3A_92 = arith.index_cast %get3A_91 : i32 to index
      %get3A_93 = arith.index_cast %mul3A_90 : i32 to index
      %get3A_94 = tpu.vector_load %arg10[%get3A_92, %get3A_93] {strides = array<i32>} : memref<32x1024xf32, #tpu.memory_space<vmem>>, vector<16xf32>,
      %add3A_95 = arith.addf %add3A_88, %get3A_94 : vector<16xf32>
      %mul3A_96 = arith.constant 16 : i32
      %mul3A_97 = arith.muli %scan3A_23, %mul3A_96 : i32
      %get3A_98 = arith.constant 10 : i32
      %get3A_99 = arith.index_cast %get3A_98 : i32 to index
      %get3A_100 = arith.index_cast %mul3A_97 : i32 to index
      %get3A_101 = tpu.vector_load %arg10[%get3A_99, %get3A_100] {strides = array<i32>} : memref<32x1024xf32, #tpu.memory_space<vmem>>, vector<16xf32>,
      %add3A_102 = arith.addf %add3A_95, %get3A_101 : vector<16xf32>
      %mul3A_103 = arith.constant 16 : i32
      %mul3A_104 = arith.muli %scan3A_23, %mul3A_103 : i32
      %get3A_105 = arith.constant 11 : i32
      %get3A_106 = arith.index_cast %get3A_105 : i32 to index
      %get3A_107 = arith.index_cast %mul3A_104 : i32 to index
      %get3A_108 = tpu.vector_load %arg10[%get3A_106, %get3A_107] {strides = array<i32>} : memref<32x1024xf32, #tpu.memory_space<vmem>>, vector<16xf32>,
      %add3A_109 = arith.addf %add3A_102, %get3A_108 : vector<16xf32>
      %mul3A_110 = arith.constant 16 : i32
      %mul3A_111 = arith.muli %scan3A_23, %mul3A_110 : i32
      %get3A_112 = arith.constant 12 : i32
      %get3A_113 = arith.index_cast %get3A_112 : i32 to index
      %get3A_114 = arith.index_cast %mul3A_111 : i32 to index
      %get3A_115 = tpu.vector_load %arg10[%get3A_113, %get3A_114] {strides = array<i32>} : memref<32x1024xf32, #tpu.memory_space<vmem>>, vector<16xf32>,
      %add3A_116 = arith.addf %add3A_109, %get3A_115 : vector<16xf32>
      %mul3A_117 = arith.constant 16 : i32
      %mul3A_118 = arith.muli %scan3A_23, %mul3A_117 : i32
      %get3A_119 = arith.constant 13 : i32
      %get3A_120 = arith.index_cast %get3A_119 : i32 to index
      %get3A_121 = arith.index_cast %mul3A_118 : i32 to index
      %get3A_122 = tpu.vector_load %arg10[%get3A_120, %get3A_121] {strides = array<i32>} : memref<32x1024xf32, #tpu.memory_space<vmem>>, vector<16xf32>,
      %add3A_123 = arith.addf %add3A_116, %get3A_122 : vector<16xf32>
      %mul3A_124 = arith.constant 16 : i32
      %mul3A_125 = arith.muli %scan3A_23, %mul3A_124 : i32
      %get3A_126 = arith.constant 14 : i32
      %get3A_127 = arith.index_cast %get3A_126 : i32 to index
      %get3A_128 = arith.index_cast %mul3A_125 : i32 to index
      %get3A_129 = tpu.vector_load %arg10[%get3A_127, %get3A_128] {strides = array<i32>} : memref<32x1024xf32, #tpu.memory_space<vmem>>, vector<16xf32>,
      %add3A_130 = arith.addf %add3A_123, %get3A_129 : vector<16xf32>
      %mul3A_131 = arith.constant 16 : i32
      %mul3A_132 = arith.muli %scan3A_23, %mul3A_131 : i32
      %get3A_133 = arith.constant 15 : i32
      %get3A_134 = arith.index_cast %get3A_133 : i32 to index
      %get3A_135 = arith.index_cast %mul3A_132 : i32 to index
      %get3A_136 = tpu.vector_load %arg10[%get3A_134, %get3A_135] {strides = array<i32>} : memref<32x1024xf32, #tpu.memory_space<vmem>>, vector<16xf32>,
      %add3A_137 = arith.addf %add3A_130, %get3A_136 : vector<16xf32>
      %mul3A_138 = arith.constant 16 : i32
      %mul3A_139 = arith.muli %scan3A_23, %mul3A_138 : i32
      %get3A_140 = arith.constant 16 : i32
      %get3A_141 = arith.index_cast %get3A_140 : i32 to index
      %get3A_142 = arith.index_cast %mul3A_139 : i32 to index
      %get3A_143 = tpu.vector_load %arg10[%get3A_141, %get3A_142] {strides = array<i32>} : memref<32x1024xf32, #tpu.memory_space<vmem>>, vector<16xf32>,
      %add3A_144 = arith.addf %add3A_137, %get3A_143 : vector<16xf32>
      %mul3A_145 = arith.constant 16 : i32
      %mul3A_146 = arith.muli %scan3A_23, %mul3A_145 : i32
      %get3A_147 = arith.constant 17 : i32
      %get3A_148 = arith.index_cast %get3A_147 : i32 to index
      %get3A_149 = arith.index_cast %mul3A_146 : i32 to index
      %get3A_150 = tpu.vector_load %arg10[%get3A_148, %get3A_149] {strides = array<i32>} : memref<32x1024xf32, #tpu.memory_space<vmem>>, vector<16xf32>,
      %add3A_151 = arith.addf %add3A_144, %get3A_150 : vector<16xf32>
      %mul3A_152 = arith.constant 16 : i32
      %mul3A_153 = arith.muli %scan3A_23, %mul3A_152 : i32
      %get3A_154 = arith.constant 18 : i32
      %get3A_155 = arith.index_cast %get3A_154 : i32 to index
      %get3A_156 = arith.index_cast %mul3A_153 : i32 to index
      %get3A_157 = tpu.vector_load %arg10[%get3A_155, %get3A_156] {strides = array<i32>} : memref<32x1024xf32, #tpu.memory_space<vmem>>, vector<16xf32>,
      %add3A_158 = arith.addf %add3A_151, %get3A_157 : vector<16xf32>
      %mul3A_159 = arith.constant 16 : i32
      %mul3A_160 = arith.muli %scan3A_23, %mul3A_159 : i32
      %get3A_161 = arith.constant 19 : i32
      %get3A_162 = arith.index_cast %get3A_161 : i32 to index
      %get3A_163 = arith.index_cast %mul3A_160 : i32 to index
      %get3A_164 = tpu.vector_load %arg10[%get3A_162, %get3A_163] {strides = array<i32>} : memref<32x1024xf32, #tpu.memory_space<vmem>>, vector<16xf32>,
      %add3A_165 = arith.addf %add3A_158, %get3A_164 : vector<16xf32>
      %mul3A_166 = arith.constant 16 : i32
      %mul3A_167 = arith.muli %scan3A_23, %mul3A_166 : i32
      %get3A_168 = arith.constant 20 : i32
      %get3A_169 = arith.index_cast %get3A_168 : i32 to index
      %get3A_170 = arith.index_cast %mul3A_167 : i32 to index
      %get3A_171 = tpu.vector_load %arg10[%get3A_169, %get3A_170] {strides = array<i32>} : memref<32x1024xf32, #tpu.memory_space<vmem>>, vector<16xf32>,
      %add3A_172 = arith.addf %add3A_165, %get3A_171 : vector<16xf32>
      %mul3A_173 = arith.constant 16 : i32
      %mul3A_174 = arith.muli %scan3A_23, %mul3A_173 : i32
      %get3A_175 = arith.constant 21 : i32
      %get3A_176 = arith.index_cast %get3A_175 : i32 to index
      %get3A_177 = arith.index_cast %mul3A_174 : i32 to index
      %get3A_178 = tpu.vector_load %arg10[%get3A_176, %get3A_177] {strides = array<i32>} : memref<32x1024xf32, #tpu.memory_space<vmem>>, vector<16xf32>,
      %add3A_179 = arith.addf %add3A_172, %get3A_178 : vector<16xf32>
      %mul3A_180 = arith.constant 16 : i32
      %mul3A_181 = arith.muli %scan3A_23, %mul3A_180 : i32
      %get3A_182 = arith.constant 22 : i32
      %get3A_183 = arith.index_cast %get3A_182 : i32 to index
      %get3A_184 = arith.index_cast %mul3A_181 : i32 to index
      %get3A_185 = tpu.vector_load %arg10[%get3A_183, %get3A_184] {strides = array<i32>} : memref<32x1024xf32, #tpu.memory_space<vmem>>, vector<16xf32>,
      %add3A_186 = arith.addf %add3A_179, %get3A_185 : vector<16xf32>
      %mul3A_187 = arith.constant 16 : i32
      %mul3A_188 = arith.muli %scan3A_23, %mul3A_187 : i32
      %get3A_189 = arith.constant 23 : i32
      %get3A_190 = arith.index_cast %get3A_189 : i32 to index
      %get3A_191 = arith.index_cast %mul3A_188 : i32 to index
      %get3A_192 = tpu.vector_load %arg10[%get3A_190, %get3A_191] {strides = array<i32>} : memref<32x1024xf32, #tpu.memory_space<vmem>>, vector<16xf32>,
      %add3A_193 = arith.addf %add3A_186, %get3A_192 : vector<16xf32>
      %mul3A_194 = arith.constant 16 : i32
      %mul3A_195 = arith.muli %scan3A_23, %mul3A_194 : i32
      %get3A_196 = arith.constant 24 : i32
      %get3A_197 = arith.index_cast %get3A_196 : i32 to index
      %get3A_198 = arith.index_cast %mul3A_195 : i32 to index
      %get3A_199 = tpu.vector_load %arg10[%get3A_197, %get3A_198] {strides = array<i32>} : memref<32x1024xf32, #tpu.memory_space<vmem>>, vector<16xf32>,
      %add3A_200 = arith.addf %add3A_193, %get3A_199 : vector<16xf32>
      %mul3A_201 = arith.constant 16 : i32
      %mul3A_202 = arith.muli %scan3A_23, %mul3A_201 : i32
      %get3A_203 = arith.constant 25 : i32
      %get3A_204 = arith.index_cast %get3A_203 : i32 to index
      %get3A_205 = arith.index_cast %mul3A_202 : i32 to index
      %get3A_206 = tpu.vector_load %arg10[%get3A_204, %get3A_205] {strides = array<i32>} : memref<32x1024xf32, #tpu.memory_space<vmem>>, vector<16xf32>,
      %add3A_207 = arith.addf %add3A_200, %get3A_206 : vector<16xf32>
      %mul3A_208 = arith.constant 16 : i32
      %mul3A_209 = arith.muli %scan3A_23, %mul3A_208 : i32
      %get3A_210 = arith.constant 26 : i32
      %get3A_211 = arith.index_cast %get3A_210 : i32 to index
      %get3A_212 = arith.index_cast %mul3A_209 : i32 to index
      %get3A_213 = tpu.vector_load %arg10[%get3A_211, %get3A_212] {strides = array<i32>} : memref<32x1024xf32, #tpu.memory_space<vmem>>, vector<16xf32>,
      %add3A_214 = arith.addf %add3A_207, %get3A_213 : vector<16xf32>
      %mul3A_215 = arith.constant 16 : i32
      %mul3A_216 = arith.muli %scan3A_23, %mul3A_215 : i32
      %get3A_217 = arith.constant 27 : i32
      %get3A_218 = arith.index_cast %get3A_217 : i32 to index
      %get3A_219 = arith.index_cast %mul3A_216 : i32 to index
      %get3A_220 = tpu.vector_load %arg10[%get3A_218, %get3A_219] {strides = array<i32>} : memref<32x1024xf32, #tpu.memory_space<vmem>>, vector<16xf32>,
      %add3A_221 = arith.addf %add3A_214, %get3A_220 : vector<16xf32>
      %mul3A_222 = arith.constant 16 : i32
      %mul3A_223 = arith.muli %scan3A_23, %mul3A_222 : i32
      %get3A_224 = arith.constant 28 : i32
      %get3A_225 = arith.index_cast %get3A_224 : i32 to index
      %get3A_226 = arith.index_cast %mul3A_223 : i32 to index
      %get3A_227 = tpu.vector_load %arg10[%get3A_225, %get3A_226] {strides = array<i32>} : memref<32x1024xf32, #tpu.memory_space<vmem>>, vector<16xf32>,
      %add3A_228 = arith.addf %add3A_221, %get3A_227 : vector<16xf32>
      %mul3A_229 = arith.constant 16 : i32
      %mul3A_230 = arith.muli %scan3A_23, %mul3A_229 : i32
      %get3A_231 = arith.constant 29 : i32
      %get3A_232 = arith.index_cast %get3A_231 : i32 to index
      %get3A_233 = arith.index_cast %mul3A_230 : i32 to index
      %get3A_234 = tpu.vector_load %arg10[%get3A_232, %get3A_233] {strides = array<i32>} : memref<32x1024xf32, #tpu.memory_space<vmem>>, vector<16xf32>,
      %add3A_235 = arith.addf %add3A_228, %get3A_234 : vector<16xf32>
      %mul3A_236 = arith.constant 16 : i32
      %mul3A_237 = arith.muli %scan3A_23, %mul3A_236 : i32
      %get3A_238 = arith.constant 30 : i32
      %get3A_239 = arith.index_cast %get3A_238 : i32 to index
      %get3A_240 = arith.index_cast %mul3A_237 : i32 to index
      %get3A_241 = tpu.vector_load %arg10[%get3A_239, %get3A_240] {strides = array<i32>} : memref<32x1024xf32, #tpu.memory_space<vmem>>, vector<16xf32>,
      %add3A_242 = arith.addf %add3A_235, %get3A_241 : vector<16xf32>
      %mul3A_243 = arith.constant 16 : i32
      %mul3A_244 = arith.muli %scan3A_23, %mul3A_243 : i32
      %get3A_245 = arith.constant 31 : i32
      %get3A_246 = arith.index_cast %get3A_245 : i32 to index
      %get3A_247 = arith.index_cast %mul3A_244 : i32 to index
      %get3A_248 = tpu.vector_load %arg10[%get3A_246, %get3A_247] {strides = array<i32>} : memref<32x1024xf32, #tpu.memory_space<vmem>>, vector<16xf32>,
      %add3A_249 = arith.addf %add3A_242, %get3A_248 : vector<16xf32>
      %add3A_250 = arith.addf %add3A_249, %get3A_9 : vector<16xf32>
      %div3A = arith.constant 1.000000e+00 : f32
      %div3A_251 = vector.broadcast %div3A : f32 to vector<16xf32>
      %div3A_252 = arith.divf %div3A_251, %add3A_250 : vector<16xf32>
      %mul3A_253 = arith.constant 16 : i32
      %mul3A_254 = arith.muli %scan3A_23, %mul3A_253 : i32
      %swap3A = arith.index_cast %mul3A_254 : i32 to index
      %swap3A_255 = tpu.vector_load %arg11[%swap3A] {strides = array<i32>} : memref<1024xf32, #tpu.memory_space<vmem>>, vector<16xf32>,
      tpu.vector_store %arg11[%swap3A], %div3A_252 {strides = array<i32>} : memref<1024xf32, #tpu.memory_space<vmem>>, vector<16xf32>,
      %scan3A_256 = arith.constant 0 : i32
      scf.yield %scan3A_256 : i32
    }
    %scan3A_15 = arith.constant 64 : i32
    %scan3A_16 = arith.constant 0 : i32
    %scan3A_17 = arith.constant 0 : i32
    %scan3A_18 = arith.constant 125 : i32
    %scan3A_19 = arith.addi %scan3A_17, %scan3A_18 : i32
    %scan3A_20 = arith.constant 1 : i32
    %scan3A_21 = scf.for %scan3A_23 = %scan3A_17 to %scan3A_19 step %scan3A_20 iter_args(%scan3A_24 = %scan3A_16) -> (i32)  : i32 {
      %mul3A_25 = arith.constant 5 : i32
      %mul3A_26 = arith.muli %scan3A_23, %mul3A_25 : i32
      %add3A_27 = arith.constant 0 : i32
      %add3A_28 = arith.addi %mul3A_26, %add3A_27 : i32
      %mul3A_29 = arith.constant 16 : i32
      %mul3A_30 = arith.muli %add3A_28, %mul3A_29 : i32
      %get3A_31 = arith.index_cast %mul3A_30 : i32 to index
      %get3A_32 = tpu.vector_load %arg16[%get3A_31] {strides = array<i32>} : memref<10000xi32, #tpu.memory_space<vmem>>, vector<16xi32>,
      %get3A_33 = arith.index_cast %mul3A_30 : i32 to index
      %get3A_34 = tpu.vector_load %arg15[%get3A_33] {strides = array<i32>} : memref<10000xf32, #tpu.memory_space<vmem>>, vector<16xf32>,
      %gather3A = tpu.vector_load_idx %arg11[%get3A_32] : memref<1024xf32, #tpu.memory_space<vmem>>[vector<16xi32>], vector<16xf32>,
      %mul3A_35 = arith.mulf %get3A_34, %gather3A : vector<16xf32>
      %gather3A_36 = tpu.vector_load_idx %arg12[%get3A_32] : memref<1024xf32, #tpu.memory_space<vmem>>[vector<16xi32>], vector<16xf32>,
      %mul3A_37 = arith.mulf %mul3A_35, %gather3A_36 : vector<16xf32>
      %swap3A = arith.index_cast %mul3A_30 : i32 to index
      %swap3A_38 = tpu.vector_load %arg17[%swap3A] {strides = array<i32>} : memref<10000xf32, #tpu.memory_space<vmem>>, vector<16xf32>,
      tpu.vector_store %arg17[%swap3A], %mul3A_37 {strides = array<i32>} : memref<10000xf32, #tpu.memory_space<vmem>>, vector<16xf32>,
      %gather3A_39 = tpu.vector_load_idx %arg13[%get3A_32] : memref<1024xf32, #tpu.memory_space<vmem>>[vector<16xi32>], vector<16xf32>,
      %mul3A_40 = arith.mulf %mul3A_35, %gather3A_39 : vector<16xf32>
      %swap3A_41 = arith.index_cast %mul3A_30 : i32 to index
      %swap3A_42 = tpu.vector_load %arg18[%swap3A_41] {strides = array<i32>} : memref<10000xf32, #tpu.memory_space<vmem>>, vector<16xf32>,
      tpu.vector_store %arg18[%swap3A_41], %mul3A_40 {strides = array<i32>} : memref<10000xf32, #tpu.memory_space<vmem>>, vector<16xf32>,
      %mul3A_43 = arith.constant 5 : i32
      %mul3A_44 = arith.muli %scan3A_23, %mul3A_43 : i32
      %add3A_45 = arith.constant 1 : i32
      %add3A_46 = arith.addi %mul3A_44, %add3A_45 : i32
      %mul3A_47 = arith.constant 16 : i32
      %mul3A_48 = arith.muli %add3A_46, %mul3A_47 : i32
      %get3A_49 = arith.index_cast %mul3A_48 : i32 to index
      %get3A_50 = tpu.vector_load %arg16[%get3A_49] {strides = array<i32>} : memref<10000xi32, #tpu.memory_space<vmem>>, vector<16xi32>,
      %get3A_51 = arith.index_cast %mul3A_48 : i32 to index
      %get3A_52 = tpu.vector_load %arg15[%get3A_51] {strides = array<i32>} : memref<10000xf32, #tpu.memory_space<vmem>>, vector<16xf32>,
      %gather3A_53 = tpu.vector_load_idx %arg11[%get3A_50] : memref<1024xf32, #tpu.memory_space<vmem>>[vector<16xi32>], vector<16xf32>,
      %mul3A_54 = arith.mulf %get3A_52, %gather3A_53 : vector<16xf32>
      %gather3A_55 = tpu.vector_load_idx %arg12[%get3A_50] : memref<1024xf32, #tpu.memory_space<vmem>>[vector<16xi32>], vector<16xf32>,
      %mul3A_56 = arith.mulf %mul3A_54, %gather3A_55 : vector<16xf32>
      %swap3A_57 = arith.index_cast %mul3A_48 : i32 to index
      %swap3A_58 = tpu.vector_load %arg17[%swap3A_57] {strides = array<i32>} : memref<10000xf32, #tpu.memory_space<vmem>>, vector<16xf32>,
      tpu.vector_store %arg17[%swap3A_57], %mul3A_56 {strides = array<i32>} : memref<10000xf32, #tpu.memory_space<vmem>>, vector<16xf32>,
      %gather3A_59 = tpu.vector_load_idx %arg13[%get3A_50] : memref<1024xf32, #tpu.memory_space<vmem>>[vector<16xi32>], vector<16xf32>,
      %mul3A_60 = arith.mulf %mul3A_54, %gather3A_59 : vector<16xf32>
      %swap3A_61 = arith.index_cast %mul3A_48 : i32 to index
      %swap3A_62 = tpu.vector_load %arg18[%swap3A_61] {strides = array<i32>} : memref<10000xf32, #tpu.memory_space<vmem>>, vector<16xf32>,
      tpu.vector_store %arg18[%swap3A_61], %mul3A_60 {strides = array<i32>} : memref<10000xf32, #tpu.memory_space<vmem>>, vector<16xf32>,
      %mul3A_63 = arith.constant 5 : i32
      %mul3A_64 = arith.muli %scan3A_23, %mul3A_63 : i32
      %add3A_65 = arith.constant 2 : i32
      %add3A_66 = arith.addi %mul3A_64, %add3A_65 : i32
      %mul3A_67 = arith.constant 16 : i32
      %mul3A_68 = arith.muli %add3A_66, %mul3A_67 : i32
      %get3A_69 = arith.index_cast %mul3A_68 : i32 to index
      %get3A_70 = tpu.vector_load %arg16[%get3A_69] {strides = array<i32>} : memref<10000xi32, #tpu.memory_space<vmem>>, vector<16xi32>,
      %get3A_71 = arith.index_cast %mul3A_68 : i32 to index
      %get3A_72 = tpu.vector_load %arg15[%get3A_71] {strides = array<i32>} : memref<10000xf32, #tpu.memory_space<vmem>>, vector<16xf32>,
      %gather3A_73 = tpu.vector_load_idx %arg11[%get3A_70] : memref<1024xf32, #tpu.memory_space<vmem>>[vector<16xi32>], vector<16xf32>,
      %mul3A_74 = arith.mulf %get3A_72, %gather3A_73 : vector<16xf32>
      %gather3A_75 = tpu.vector_load_idx %arg12[%get3A_70] : memref<1024xf32, #tpu.memory_space<vmem>>[vector<16xi32>], vector<16xf32>,
      %mul3A_76 = arith.mulf %mul3A_74, %gather3A_75 : vector<16xf32>
      %swap3A_77 = arith.index_cast %mul3A_68 : i32 to index
      %swap3A_78 = tpu.vector_load %arg17[%swap3A_77] {strides = array<i32>} : memref<10000xf32, #tpu.memory_space<vmem>>, vector<16xf32>,
      tpu.vector_store %arg17[%swap3A_77], %mul3A_76 {strides = array<i32>} : memref<10000xf32, #tpu.memory_space<vmem>>, vector<16xf32>,
      %gather3A_79 = tpu.vector_load_idx %arg13[%get3A_70] : memref<1024xf32, #tpu.memory_space<vmem>>[vector<16xi32>], vector<16xf32>,
      %mul3A_80 = arith.mulf %mul3A_74, %gather3A_79 : vector<16xf32>
      %swap3A_81 = arith.index_cast %mul3A_68 : i32 to index
      %swap3A_82 = tpu.vector_load %arg18[%swap3A_81] {strides = array<i32>} : memref<10000xf32, #tpu.memory_space<vmem>>, vector<16xf32>,
      tpu.vector_store %arg18[%swap3A_81], %mul3A_80 {strides = array<i32>} : memref<10000xf32, #tpu.memory_space<vmem>>, vector<16xf32>,
      %mul3A_83 = arith.constant 5 : i32
      %mul3A_84 = arith.muli %scan3A_23, %mul3A_83 : i32
      %add3A_85 = arith.constant 3 : i32
      %add3A_86 = arith.addi %mul3A_84, %add3A_85 : i32
      %mul3A_87 = arith.constant 16 : i32
      %mul3A_88 = arith.muli %add3A_86, %mul3A_87 : i32
      %get3A_89 = arith.index_cast %mul3A_88 : i32 to index
      %get3A_90 = tpu.vector_load %arg16[%get3A_89] {strides = array<i32>} : memref<10000xi32, #tpu.memory_space<vmem>>, vector<16xi32>,
      %get3A_91 = arith.index_cast %mul3A_88 : i32 to index
      %get3A_92 = tpu.vector_load %arg15[%get3A_91] {strides = array<i32>} : memref<10000xf32, #tpu.memory_space<vmem>>, vector<16xf32>,
      %gather3A_93 = tpu.vector_load_idx %arg11[%get3A_90] : memref<1024xf32, #tpu.memory_space<vmem>>[vector<16xi32>], vector<16xf32>,
      %mul3A_94 = arith.mulf %get3A_92, %gather3A_93 : vector<16xf32>
      %gather3A_95 = tpu.vector_load_idx %arg12[%get3A_90] : memref<1024xf32, #tpu.memory_space<vmem>>[vector<16xi32>], vector<16xf32>,
      %mul3A_96 = arith.mulf %mul3A_94, %gather3A_95 : vector<16xf32>
      %swap3A_97 = arith.index_cast %mul3A_88 : i32 to index
      %swap3A_98 = tpu.vector_load %arg17[%swap3A_97] {strides = array<i32>} : memref<10000xf32, #tpu.memory_space<vmem>>, vector<16xf32>,
      tpu.vector_store %arg17[%swap3A_97], %mul3A_96 {strides = array<i32>} : memref<10000xf32, #tpu.memory_space<vmem>>, vector<16xf32>,
      %gather3A_99 = tpu.vector_load_idx %arg13[%get3A_90] : memref<1024xf32, #tpu.memory_space<vmem>>[vector<16xi32>], vector<16xf32>,
      %mul3A_100 = arith.mulf %mul3A_94, %gather3A_99 : vector<16xf32>
      %swap3A_101 = arith.index_cast %mul3A_88 : i32 to index
      %swap3A_102 = tpu.vector_load %arg18[%swap3A_101] {strides = array<i32>} : memref<10000xf32, #tpu.memory_space<vmem>>, vector<16xf32>,
      tpu.vector_store %arg18[%swap3A_101], %mul3A_100 {strides = array<i32>} : memref<10000xf32, #tpu.memory_space<vmem>>, vector<16xf32>,
      %mul3A_103 = arith.constant 5 : i32
      %mul3A_104 = arith.muli %scan3A_23, %mul3A_103 : i32
      %add3A_105 = arith.constant 4 : i32
      %add3A_106 = arith.addi %mul3A_104, %add3A_105 : i32
      %mul3A_107 = arith.constant 16 : i32
      %mul3A_108 = arith.muli %add3A_106, %mul3A_107 : i32
      %get3A_109 = arith.index_cast %mul3A_108 : i32 to index
      %get3A_110 = tpu.vector_load %arg16[%get3A_109] {strides = array<i32>} : memref<10000xi32, #tpu.memory_space<vmem>>, vector<16xi32>,
      %get3A_111 = arith.index_cast %mul3A_108 : i32 to index
      %get3A_112 = tpu.vector_load %arg15[%get3A_111] {strides = array<i32>} : memref<10000xf32, #tpu.memory_space<vmem>>, vector<16xf32>,
      %gather3A_113 = tpu.vector_load_idx %arg11[%get3A_110] : memref<1024xf32, #tpu.memory_space<vmem>>[vector<16xi32>], vector<16xf32>,
      %mul3A_114 = arith.mulf %get3A_112, %gather3A_113 : vector<16xf32>
      %gather3A_115 = tpu.vector_load_idx %arg12[%get3A_110] : memref<1024xf32, #tpu.memory_space<vmem>>[vector<16xi32>], vector<16xf32>,
      %mul3A_116 = arith.mulf %mul3A_114, %gather3A_115 : vector<16xf32>
      %swap3A_117 = arith.index_cast %mul3A_108 : i32 to index
      %swap3A_118 = tpu.vector_load %arg17[%swap3A_117] {strides = array<i32>} : memref<10000xf32, #tpu.memory_space<vmem>>, vector<16xf32>,
      tpu.vector_store %arg17[%swap3A_117], %mul3A_116 {strides = array<i32>} : memref<10000xf32, #tpu.memory_space<vmem>>, vector<16xf32>,
      %gather3A_119 = tpu.vector_load_idx %arg13[%get3A_110] : memref<1024xf32, #tpu.memory_space<vmem>>[vector<16xi32>], vector<16xf32>,
      %mul3A_120 = arith.mulf %mul3A_114, %gather3A_119 : vector<16xf32>
      %swap3A_121 = arith.index_cast %mul3A_108 : i32 to index
      %swap3A_122 = tpu.vector_load %arg18[%swap3A_121] {strides = array<i32>} : memref<10000xf32, #tpu.memory_space<vmem>>, vector<16xf32>,
      tpu.vector_store %arg18[%swap3A_121], %mul3A_120 {strides = array<i32>} : memref<10000xf32, #tpu.memory_space<vmem>>, vector<16xf32>,
      %scan3A_123 = arith.constant 0 : i32
      scf.yield %scan3A_123 : i32
    }
    %scan3A_22 = arith.constant 125 : i32
    "tpu.region"() ({
      %run_scoped3A = tpu.sem_alloc : memref<!tpu.dma_semaphore, #tpu.memory_space<semaphore_mem>>
      %dma_start3A_23 = tpu.memref_slice %arg8[%mul3A_2] : memref<320000xf32, #tpu.memory_space<hbm>> -> memref<10000xf32, #tpu.memory_space<hbm>>
      %dma_start3A_24 = tpu.memref_slice %arg8[%mul3A_2] : memref<320000xf32, #tpu.memory_space<hbm>> -> memref<10000xf32, #tpu.memory_space<hbm>>
      tpu.enqueue_dma source(%arg17 : memref<10000xf32, #tpu.memory_space<vmem>>) target(%dma_start3A_24 : memref<10000xf32, #tpu.memory_space<hbm>>) target_semaphore(%run_scoped3A : memref<!tpu.dma_semaphore, #tpu.memory_space<semaphore_mem>>)
      %dma_wait3A_25 = tpu.memref_slice %arg8[%mul3A_2] : memref<320000xf32, #tpu.memory_space<hbm>> -> memref<10000xf32, #tpu.memory_space<hbm>>
      %dma_wait3A_26 = tpu.memref_slice %arg8[%mul3A_2] : memref<320000xf32, #tpu.memory_space<hbm>> -> memref<10000xf32, #tpu.memory_space<hbm>>
      tpu.wait_dma2 semaphore(%run_scoped3A : memref<!tpu.dma_semaphore, #tpu.memory_space<semaphore_mem>>) src(%arg17 : memref<10000xf32, #tpu.memory_space<vmem>>) dst(%dma_wait3A_26 : memref<10000xf32, #tpu.memory_space<hbm>>)
      tpu.yield
    }) : () -> ()
    "tpu.region"() ({
      %run_scoped3A = tpu.sem_alloc : memref<!tpu.dma_semaphore, #tpu.memory_space<semaphore_mem>>
      %dma_start3A_23 = tpu.memref_slice %arg9[%mul3A_2] : memref<320000xf32, #tpu.memory_space<hbm>> -> memref<10000xf32, #tpu.memory_space<hbm>>
      %dma_start3A_24 = tpu.memref_slice %arg9[%mul3A_2] : memref<320000xf32, #tpu.memory_space<hbm>> -> memref<10000xf32, #tpu.memory_space<hbm>>
      tpu.enqueue_dma source(%arg18 : memref<10000xf32, #tpu.memory_space<vmem>>) target(%dma_start3A_24 : memref<10000xf32, #tpu.memory_space<hbm>>) target_semaphore(%run_scoped3A : memref<!tpu.dma_semaphore, #tpu.memory_space<semaphore_mem>>)
      %dma_wait3A_25 = tpu.memref_slice %arg9[%mul3A_2] : memref<320000xf32, #tpu.memory_space<hbm>> -> memref<10000xf32, #tpu.memory_space<hbm>>
      %dma_wait3A_26 = tpu.memref_slice %arg9[%mul3A_2] : memref<320000xf32, #tpu.memory_space<hbm>> -> memref<10000xf32, #tpu.memory_space<hbm>>
      tpu.wait_dma2 semaphore(%run_scoped3A : memref<!tpu.dma_semaphore, #tpu.memory_space<semaphore_mem>>) src(%arg18 : memref<10000xf32, #tpu.memory_space<vmem>>) dst(%dma_wait3A_26 : memref<10000xf32, #tpu.memory_space<hbm>>)
      tpu.yield
    }) : () -> ()
    return
  }
}

#map = affine_map<(d0, d1) -> (0)>
#map1 = affine_map<(d0, d1) -> (0, 0)>
module attributes {stable_mosaic.version = 14 : i64} {
  func.func @k(%arg0: i32, %arg1: i32, %arg2: memref<320000xf32, #tpu.memory_space<hbm>>, %arg3: memref<320000xf32, #tpu.memory_space<hbm>>, %arg4: memref<320000xi32, #tpu.memory_space<hbm>>, %arg5: memref<1024xf32, #tpu.memory_space<hbm>>, %arg6: memref<1024xf32, #tpu.memory_space<hbm>>, %arg7: memref<1024xf32, #tpu.memory_space<hbm>>, %arg8: memref<320000xf32, #tpu.memory_space<hbm>>, %arg9: memref<32x1024xf32, #tpu.memory_space<hbm>>, %arg10: memref<10000xf32, #tpu.memory_space<vmem>>, %arg11: memref<10000xf32, #tpu.memory_space<vmem>>, %arg12: memref<10000xi32, #tpu.memory_space<vmem>>, %arg13: memref<10000xf32, #tpu.memory_space<vmem>>, %arg14: memref<16384xf32, #tpu.memory_space<vmem>>, %arg15: memref<1024xf32, #tpu.memory_space<vmem>>, %arg16: memref<1024xf32, #tpu.memory_space<vmem>>, %arg17: memref<1024xf32, #tpu.memory_space<vmem>>, %arg18: memref<1024xf32, #tpu.memory_space<vmem>>, %arg19: memref<!tpu.dma_semaphore, #tpu.memory_space<semaphore_mem>>) attributes {dimension_semantics = [#tpu.dimension_semantics<core_parallel>, #tpu.dimension_semantics<subcore_parallel>], iteration_bounds = array<i64: 2, 16>, scalar_prefetch = 0 : i64, scratch_operands = 10 : i64, tpu.core_type = #tpu.core_type<sc_vector_subcore>, window_params = [{transform_indices = #map}, {transform_indices = #map}, {transform_indices = #map}, {transform_indices = #map}, {transform_indices = #map}, {transform_indices = #map}, {transform_indices = #map}, {transform_indices = #map1}]} {
    %mul3A = arith.constant 2 : i32
    %mul3A_0 = arith.muli %arg1, %mul3A : i32
    %add3A = arith.addi %mul3A_0, %arg0 : i32
    %mul3A_1 = arith.constant 10000 : i32
    %mul3A_2 = arith.muli %add3A, %mul3A_1 : i32
    %dma_start3A = tpu.memref_slice %arg2[%mul3A_2] : memref<320000xf32, #tpu.memory_space<hbm>> -> memref<10000xf32, #tpu.memory_space<hbm>>
    %dma_start3A_3 = tpu.memref_slice %arg2[%mul3A_2] : memref<320000xf32, #tpu.memory_space<hbm>> -> memref<10000xf32, #tpu.memory_space<hbm>>
    tpu.enqueue_dma source(%dma_start3A_3 : memref<10000xf32, #tpu.memory_space<hbm>>) target(%arg10 : memref<10000xf32, #tpu.memory_space<vmem>>) target_semaphore(%arg19 : memref<!tpu.dma_semaphore, #tpu.memory_space<semaphore_mem>>)
    %dma_start3A_4 = tpu.memref_slice %arg3[%mul3A_2] : memref<320000xf32, #tpu.memory_space<hbm>> -> memref<10000xf32, #tpu.memory_space<hbm>>
    %dma_start3A_5 = tpu.memref_slice %arg3[%mul3A_2] : memref<320000xf32, #tpu.memory_space<hbm>> -> memref<10000xf32, #tpu.memory_space<hbm>>
    tpu.enqueue_dma source(%dma_start3A_5 : memref<10000xf32, #tpu.memory_space<hbm>>) target(%arg11 : memref<10000xf32, #tpu.memory_space<vmem>>) target_semaphore(%arg19 : memref<!tpu.dma_semaphore, #tpu.memory_space<semaphore_mem>>)
    %dma_start3A_6 = tpu.memref_slice %arg4[%mul3A_2] : memref<320000xi32, #tpu.memory_space<hbm>> -> memref<10000xi32, #tpu.memory_space<hbm>>
    %dma_start3A_7 = tpu.memref_slice %arg4[%mul3A_2] : memref<320000xi32, #tpu.memory_space<hbm>> -> memref<10000xi32, #tpu.memory_space<hbm>>
    tpu.enqueue_dma source(%dma_start3A_7 : memref<10000xi32, #tpu.memory_space<hbm>>) target(%arg12 : memref<10000xi32, #tpu.memory_space<vmem>>) target_semaphore(%arg19 : memref<!tpu.dma_semaphore, #tpu.memory_space<semaphore_mem>>)
    tpu.enqueue_dma source(%arg5 : memref<1024xf32, #tpu.memory_space<hbm>>) target(%arg15 : memref<1024xf32, #tpu.memory_space<vmem>>) target_semaphore(%arg19 : memref<!tpu.dma_semaphore, #tpu.memory_space<semaphore_mem>>)
    tpu.enqueue_dma source(%arg6 : memref<1024xf32, #tpu.memory_space<hbm>>) target(%arg16 : memref<1024xf32, #tpu.memory_space<vmem>>) target_semaphore(%arg19 : memref<!tpu.dma_semaphore, #tpu.memory_space<semaphore_mem>>)
    tpu.enqueue_dma source(%arg7 : memref<1024xf32, #tpu.memory_space<hbm>>) target(%arg17 : memref<1024xf32, #tpu.memory_space<vmem>>) target_semaphore(%arg19 : memref<!tpu.dma_semaphore, #tpu.memory_space<semaphore_mem>>)
    %iota3A = tpu.iota {dimensions = array<i32: 0>} : vector<16xi32>
    %mul3A_8 = arith.constant 1024 : i32
    %mul3A_9 = vector.broadcast %mul3A_8 : i32 to vector<16xi32>
    %mul3A_10 = arith.muli %iota3A, %mul3A_9 : vector<16xi32>
    %broadcast_in_dim3A = arith.constant 0.000000e+00 : f32
    %broadcast_in_dim3A_11 = vector.broadcast %broadcast_in_dim3A : f32 to vector<16xf32>
    %scan3A = arith.constant 0 : i32
    %scan3A_12 = arith.constant 0 : i32
    %scan3A_13 = arith.constant 1024 : i32
    %scan3A_14 = arith.addi %scan3A_12, %scan3A_13 : i32
    %scan3A_15 = arith.constant 1 : i32
    %scan3A_16 = scf.for %scan3A_37 = %scan3A_12 to %scan3A_14 step %scan3A_15 iter_args(%scan3A_38 = %scan3A) -> (i32)  : i32 {
      %mul3A_39 = arith.constant 16 : i32
      %mul3A_40 = arith.muli %scan3A_37, %mul3A_39 : i32
      %swap3A = arith.index_cast %mul3A_40 : i32 to index
      %swap3A_41 = tpu.vector_load %arg14[%swap3A] {strides = array<i32>} : memref<16384xf32, #tpu.memory_space<vmem>>, vector<16xf32>,
      tpu.vector_store %arg14[%swap3A], %broadcast_in_dim3A_11 {strides = array<i32>} : memref<16384xf32, #tpu.memory_space<vmem>>, vector<16xf32>,
      %scan3A_42 = arith.constant 0 : i32
      scf.yield %scan3A_42 : i32
    }
    %scan3A_17 = arith.constant 1024 : i32
    %dma_wait3A = tpu.memref_slice %arg2[%mul3A_2] : memref<320000xf32, #tpu.memory_space<hbm>> -> memref<10000xf32, #tpu.memory_space<hbm>>
    %dma_wait3A_18 = tpu.memref_slice %arg2[%mul3A_2] : memref<320000xf32, #tpu.memory_space<hbm>> -> memref<10000xf32, #tpu.memory_space<hbm>>
    tpu.wait_dma2 semaphore(%arg19 : memref<!tpu.dma_semaphore, #tpu.memory_space<semaphore_mem>>) src(%dma_wait3A_18 : memref<10000xf32, #tpu.memory_space<hbm>>) dst(%arg10 : memref<10000xf32, #tpu.memory_space<vmem>>)
    %dma_wait3A_19 = tpu.memref_slice %arg3[%mul3A_2] : memref<320000xf32, #tpu.memory_space<hbm>> -> memref<10000xf32, #tpu.memory_space<hbm>>
    %dma_wait3A_20 = tpu.memref_slice %arg3[%mul3A_2] : memref<320000xf32, #tpu.memory_space<hbm>> -> memref<10000xf32, #tpu.memory_space<hbm>>
    tpu.wait_dma2 semaphore(%arg19 : memref<!tpu.dma_semaphore, #tpu.memory_space<semaphore_mem>>) src(%dma_wait3A_20 : memref<10000xf32, #tpu.memory_space<hbm>>) dst(%arg11 : memref<10000xf32, #tpu.memory_space<vmem>>)
    %dma_wait3A_21 = tpu.memref_slice %arg4[%mul3A_2] : memref<320000xi32, #tpu.memory_space<hbm>> -> memref<10000xi32, #tpu.memory_space<hbm>>
    %dma_wait3A_22 = tpu.memref_slice %arg4[%mul3A_2] : memref<320000xi32, #tpu.memory_space<hbm>> -> memref<10000xi32, #tpu.memory_space<hbm>>
    tpu.wait_dma2 semaphore(%arg19 : memref<!tpu.dma_semaphore, #tpu.memory_space<semaphore_mem>>) src(%dma_wait3A_22 : memref<10000xi32, #tpu.memory_space<hbm>>) dst(%arg12 : memref<10000xi32, #tpu.memory_space<vmem>>)
    tpu.wait_dma2 semaphore(%arg19 : memref<!tpu.dma_semaphore, #tpu.memory_space<semaphore_mem>>) src(%arg5 : memref<1024xf32, #tpu.memory_space<hbm>>) dst(%arg15 : memref<1024xf32, #tpu.memory_space<vmem>>)
    tpu.wait_dma2 semaphore(%arg19 : memref<!tpu.dma_semaphore, #tpu.memory_space<semaphore_mem>>) src(%arg6 : memref<1024xf32, #tpu.memory_space<hbm>>) dst(%arg16 : memref<1024xf32, #tpu.memory_space<vmem>>)
    tpu.wait_dma2 semaphore(%arg19 : memref<!tpu.dma_semaphore, #tpu.memory_space<semaphore_mem>>) src(%arg7 : memref<1024xf32, #tpu.memory_space<hbm>>) dst(%arg17 : memref<1024xf32, #tpu.memory_space<vmem>>)
    %scan3A_23 = arith.constant 0 : i32
    %scan3A_24 = arith.constant 0 : i32
    %scan3A_25 = arith.constant 125 : i32
    %scan3A_26 = arith.addi %scan3A_24, %scan3A_25 : i32
    %scan3A_27 = arith.constant 1 : i32
    %scan3A_28 = scf.for %scan3A_37 = %scan3A_24 to %scan3A_26 step %scan3A_27 iter_args(%scan3A_38 = %scan3A_23) -> (i32)  : i32 {
      %mul3A_39 = arith.constant 5 : i32
      %mul3A_40 = arith.muli %scan3A_37, %mul3A_39 : i32
      %add3A_41 = arith.constant 0 : i32
      %add3A_42 = arith.addi %mul3A_40, %add3A_41 : i32
      %mul3A_43 = arith.constant 16 : i32
      %mul3A_44 = arith.muli %add3A_42, %mul3A_43 : i32
      %get3A = arith.index_cast %mul3A_44 : i32 to index
      %get3A_45 = tpu.vector_load %arg12[%get3A] {strides = array<i32>} : memref<10000xi32, #tpu.memory_space<vmem>>, vector<16xi32>,
      %gather3A = tpu.vector_load_idx %arg15[%get3A_45] : memref<1024xf32, #tpu.memory_space<vmem>>[vector<16xi32>], vector<16xf32>,
      %get3A_46 = arith.index_cast %mul3A_44 : i32 to index
      %get3A_47 = tpu.vector_load %arg10[%get3A_46] {strides = array<i32>} : memref<10000xf32, #tpu.memory_space<vmem>>, vector<16xf32>,
      %mul3A_48 = arith.mulf %gather3A, %get3A_47 : vector<16xf32>
      %gather3A_49 = tpu.vector_load_idx %arg16[%get3A_45] : memref<1024xf32, #tpu.memory_space<vmem>>[vector<16xi32>], vector<16xf32>,
      %get3A_50 = arith.index_cast %mul3A_44 : i32 to index
      %get3A_51 = tpu.vector_load %arg11[%get3A_50] {strides = array<i32>} : memref<10000xf32, #tpu.memory_space<vmem>>, vector<16xf32>,
      %mul3A_52 = arith.mulf %gather3A_49, %get3A_51 : vector<16xf32>
      %add3A_53 = arith.addf %mul3A_48, %mul3A_52 : vector<16xf32>
      %gather3A_54 = tpu.vector_load_idx %arg17[%get3A_45] : memref<1024xf32, #tpu.memory_space<vmem>>[vector<16xi32>], vector<16xf32>,
      %add3A_55 = arith.addf %add3A_53, %gather3A_54 : vector<16xf32>
      %abs3A = math.absf %add3A_55 : vector<16xf32>
      %neg3A = arith.constant 0.000000e+00 : f32
      %neg3A_56 = vector.broadcast %neg3A : f32 to vector<16xf32>
      %neg3A_57 = arith.subf %neg3A_56, %abs3A : vector<16xf32>
      %exp3A = math.exp %neg3A_57 : vector<16xf32>
      %mul3A_58 = arith.constant -0.00607487746 : f32
      %mul3A_59 = vector.broadcast %mul3A_58 : f32 to vector<16xf32>
      %mul3A_60 = arith.mulf %exp3A, %mul3A_59 : vector<16xf32>
      %add3A_61 = arith.constant 0.0344185941 : f32
      %add3A_62 = vector.broadcast %add3A_61 : f32 to vector<16xf32>
      %add3A_63 = arith.addf %add3A_62, %mul3A_60 : vector<16xf32>
      %mul3A_64 = arith.mulf %exp3A, %add3A_63 : vector<16xf32>
      %add3A_65 = arith.constant -0.0923137664 : f32
      %add3A_66 = vector.broadcast %add3A_65 : f32 to vector<16xf32>
      %add3A_67 = arith.addf %add3A_66, %mul3A_64 : vector<16xf32>
      %mul3A_68 = arith.mulf %exp3A, %add3A_67 : vector<16xf32>
      %add3A_69 = arith.constant 0.164783493 : f32
      %add3A_70 = vector.broadcast %add3A_69 : f32 to vector<16xf32>
      %add3A_71 = arith.addf %add3A_70, %mul3A_68 : vector<16xf32>
      %mul3A_72 = arith.mulf %exp3A, %add3A_71 : vector<16xf32>
      %add3A_73 = arith.constant -0.239190713 : f32
      %add3A_74 = vector.broadcast %add3A_73 : f32 to vector<16xf32>
      %add3A_75 = arith.addf %add3A_74, %mul3A_72 : vector<16xf32>
      %mul3A_76 = arith.mulf %exp3A, %add3A_75 : vector<16xf32>
      %add3A_77 = arith.constant 3.313340e-01 : f32
      %add3A_78 = vector.broadcast %add3A_77 : f32 to vector<16xf32>
      %add3A_79 = arith.addf %add3A_78, %mul3A_76 : vector<16xf32>
      %mul3A_80 = arith.mulf %exp3A, %add3A_79 : vector<16xf32>
      %add3A_81 = arith.constant -0.499801159 : f32
      %add3A_82 = vector.broadcast %add3A_81 : f32 to vector<16xf32>
      %add3A_83 = arith.addf %add3A_82, %mul3A_80 : vector<16xf32>
      %mul3A_84 = arith.mulf %exp3A, %add3A_83 : vector<16xf32>
      %add3A_85 = arith.constant 0.999991476 : f32
      %add3A_86 = vector.broadcast %add3A_85 : f32 to vector<16xf32>
      %add3A_87 = arith.addf %add3A_86, %mul3A_84 : vector<16xf32>
      %mul3A_88 = arith.mulf %exp3A, %add3A_87 : vector<16xf32>
      %add3A_89 = arith.constant 9.08378794E-8 : f32
      %add3A_90 = vector.broadcast %add3A_89 : f32 to vector<16xf32>
      %add3A_91 = arith.addf %add3A_90, %mul3A_88 : vector<16xf32>
      %max3A = arith.constant 0.000000e+00 : f32
      %max3A_92 = vector.broadcast %max3A : f32 to vector<16xf32>
      %max3A_93 = arith.maximumf %add3A_55, %max3A_92 : vector<16xf32>
      %add3A_94 = arith.addf %max3A_93, %add3A_91 : vector<16xf32>
      %swap3A = arith.index_cast %mul3A_44 : i32 to index
      %swap3A_95 = tpu.vector_load %arg13[%swap3A] {strides = array<i32>} : memref<10000xf32, #tpu.memory_space<vmem>>, vector<16xf32>,
      tpu.vector_store %arg13[%swap3A], %add3A_94 {strides = array<i32>} : memref<10000xf32, #tpu.memory_space<vmem>>, vector<16xf32>,
      %add3A_96 = vector.broadcast %add3A_42 : i32 to vector<16xi32>
      %add3A_97 = arith.addi %iota3A, %add3A_96 : vector<16xi32>
      %and3A = arith.constant 15 : i32
      %and3A_98 = vector.broadcast %and3A : i32 to vector<16xi32>
      %and3A_99 = arith.andi %add3A_97, %and3A_98 : vector<16xi32>
      %mul3A_100 = arith.constant 1024 : i32
      %mul3A_101 = vector.broadcast %mul3A_100 : i32 to vector<16xi32>
      %mul3A_102 = arith.muli %and3A_99, %mul3A_101 : vector<16xi32>
      %add3A_103 = arith.addi %mul3A_102, %get3A_45 : vector<16xi32>
      tpu.vector_store_idx %arg14[%add3A_103], %add3A_94 {add = true} : memref<16384xf32, #tpu.memory_space<vmem>>[vector<16xi32>], vector<16xf32>,
      %mul3A_104 = arith.constant 5 : i32
      %mul3A_105 = arith.muli %scan3A_37, %mul3A_104 : i32
      %add3A_106 = arith.constant 1 : i32
      %add3A_107 = arith.addi %mul3A_105, %add3A_106 : i32
      %mul3A_108 = arith.constant 16 : i32
      %mul3A_109 = arith.muli %add3A_107, %mul3A_108 : i32
      %get3A_110 = arith.index_cast %mul3A_109 : i32 to index
      %get3A_111 = tpu.vector_load %arg12[%get3A_110] {strides = array<i32>} : memref<10000xi32, #tpu.memory_space<vmem>>, vector<16xi32>,
      %gather3A_112 = tpu.vector_load_idx %arg15[%get3A_111] : memref<1024xf32, #tpu.memory_space<vmem>>[vector<16xi32>], vector<16xf32>,
      %get3A_113 = arith.index_cast %mul3A_109 : i32 to index
      %get3A_114 = tpu.vector_load %arg10[%get3A_113] {strides = array<i32>} : memref<10000xf32, #tpu.memory_space<vmem>>, vector<16xf32>,
      %mul3A_115 = arith.mulf %gather3A_112, %get3A_114 : vector<16xf32>
      %gather3A_116 = tpu.vector_load_idx %arg16[%get3A_111] : memref<1024xf32, #tpu.memory_space<vmem>>[vector<16xi32>], vector<16xf32>,
      %get3A_117 = arith.index_cast %mul3A_109 : i32 to index
      %get3A_118 = tpu.vector_load %arg11[%get3A_117] {strides = array<i32>} : memref<10000xf32, #tpu.memory_space<vmem>>, vector<16xf32>,
      %mul3A_119 = arith.mulf %gather3A_116, %get3A_118 : vector<16xf32>
      %add3A_120 = arith.addf %mul3A_115, %mul3A_119 : vector<16xf32>
      %gather3A_121 = tpu.vector_load_idx %arg17[%get3A_111] : memref<1024xf32, #tpu.memory_space<vmem>>[vector<16xi32>], vector<16xf32>,
      %add3A_122 = arith.addf %add3A_120, %gather3A_121 : vector<16xf32>
      %abs3A_123 = math.absf %add3A_122 : vector<16xf32>
      %neg3A_124 = arith.constant 0.000000e+00 : f32
      %neg3A_125 = vector.broadcast %neg3A_124 : f32 to vector<16xf32>
      %neg3A_126 = arith.subf %neg3A_125, %abs3A_123 : vector<16xf32>
      %exp3A_127 = math.exp %neg3A_126 : vector<16xf32>
      %mul3A_128 = arith.constant -0.00607487746 : f32
      %mul3A_129 = vector.broadcast %mul3A_128 : f32 to vector<16xf32>
      %mul3A_130 = arith.mulf %exp3A_127, %mul3A_129 : vector<16xf32>
      %add3A_131 = arith.constant 0.0344185941 : f32
      %add3A_132 = vector.broadcast %add3A_131 : f32 to vector<16xf32>
      %add3A_133 = arith.addf %add3A_132, %mul3A_130 : vector<16xf32>
      %mul3A_134 = arith.mulf %exp3A_127, %add3A_133 : vector<16xf32>
      %add3A_135 = arith.constant -0.0923137664 : f32
      %add3A_136 = vector.broadcast %add3A_135 : f32 to vector<16xf32>
      %add3A_137 = arith.addf %add3A_136, %mul3A_134 : vector<16xf32>
      %mul3A_138 = arith.mulf %exp3A_127, %add3A_137 : vector<16xf32>
      %add3A_139 = arith.constant 0.164783493 : f32
      %add3A_140 = vector.broadcast %add3A_139 : f32 to vector<16xf32>
      %add3A_141 = arith.addf %add3A_140, %mul3A_138 : vector<16xf32>
      %mul3A_142 = arith.mulf %exp3A_127, %add3A_141 : vector<16xf32>
      %add3A_143 = arith.constant -0.239190713 : f32
      %add3A_144 = vector.broadcast %add3A_143 : f32 to vector<16xf32>
      %add3A_145 = arith.addf %add3A_144, %mul3A_142 : vector<16xf32>
      %mul3A_146 = arith.mulf %exp3A_127, %add3A_145 : vector<16xf32>
      %add3A_147 = arith.constant 3.313340e-01 : f32
      %add3A_148 = vector.broadcast %add3A_147 : f32 to vector<16xf32>
      %add3A_149 = arith.addf %add3A_148, %mul3A_146 : vector<16xf32>
      %mul3A_150 = arith.mulf %exp3A_127, %add3A_149 : vector<16xf32>
      %add3A_151 = arith.constant -0.499801159 : f32
      %add3A_152 = vector.broadcast %add3A_151 : f32 to vector<16xf32>
      %add3A_153 = arith.addf %add3A_152, %mul3A_150 : vector<16xf32>
      %mul3A_154 = arith.mulf %exp3A_127, %add3A_153 : vector<16xf32>
      %add3A_155 = arith.constant 0.999991476 : f32
      %add3A_156 = vector.broadcast %add3A_155 : f32 to vector<16xf32>
      %add3A_157 = arith.addf %add3A_156, %mul3A_154 : vector<16xf32>
      %mul3A_158 = arith.mulf %exp3A_127, %add3A_157 : vector<16xf32>
      %add3A_159 = arith.constant 9.08378794E-8 : f32
      %add3A_160 = vector.broadcast %add3A_159 : f32 to vector<16xf32>
      %add3A_161 = arith.addf %add3A_160, %mul3A_158 : vector<16xf32>
      %max3A_162 = arith.constant 0.000000e+00 : f32
      %max3A_163 = vector.broadcast %max3A_162 : f32 to vector<16xf32>
      %max3A_164 = arith.maximumf %add3A_122, %max3A_163 : vector<16xf32>
      %add3A_165 = arith.addf %max3A_164, %add3A_161 : vector<16xf32>
      %swap3A_166 = arith.index_cast %mul3A_109 : i32 to index
      %swap3A_167 = tpu.vector_load %arg13[%swap3A_166] {strides = array<i32>} : memref<10000xf32, #tpu.memory_space<vmem>>, vector<16xf32>,
      tpu.vector_store %arg13[%swap3A_166], %add3A_165 {strides = array<i32>} : memref<10000xf32, #tpu.memory_space<vmem>>, vector<16xf32>,
      %add3A_168 = vector.broadcast %add3A_107 : i32 to vector<16xi32>
      %add3A_169 = arith.addi %iota3A, %add3A_168 : vector<16xi32>
      %and3A_170 = arith.constant 15 : i32
      %and3A_171 = vector.broadcast %and3A_170 : i32 to vector<16xi32>
      %and3A_172 = arith.andi %add3A_169, %and3A_171 : vector<16xi32>
      %mul3A_173 = arith.constant 1024 : i32
      %mul3A_174 = vector.broadcast %mul3A_173 : i32 to vector<16xi32>
      %mul3A_175 = arith.muli %and3A_172, %mul3A_174 : vector<16xi32>
      %add3A_176 = arith.addi %mul3A_175, %get3A_111 : vector<16xi32>
      tpu.vector_store_idx %arg14[%add3A_176], %add3A_165 {add = true} : memref<16384xf32, #tpu.memory_space<vmem>>[vector<16xi32>], vector<16xf32>,
      %mul3A_177 = arith.constant 5 : i32
      %mul3A_178 = arith.muli %scan3A_37, %mul3A_177 : i32
      %add3A_179 = arith.constant 2 : i32
      %add3A_180 = arith.addi %mul3A_178, %add3A_179 : i32
      %mul3A_181 = arith.constant 16 : i32
      %mul3A_182 = arith.muli %add3A_180, %mul3A_181 : i32
      %get3A_183 = arith.index_cast %mul3A_182 : i32 to index
      %get3A_184 = tpu.vector_load %arg12[%get3A_183] {strides = array<i32>} : memref<10000xi32, #tpu.memory_space<vmem>>, vector<16xi32>,
      %gather3A_185 = tpu.vector_load_idx %arg15[%get3A_184] : memref<1024xf32, #tpu.memory_space<vmem>>[vector<16xi32>], vector<16xf32>,
      %get3A_186 = arith.index_cast %mul3A_182 : i32 to index
      %get3A_187 = tpu.vector_load %arg10[%get3A_186] {strides = array<i32>} : memref<10000xf32, #tpu.memory_space<vmem>>, vector<16xf32>,
      %mul3A_188 = arith.mulf %gather3A_185, %get3A_187 : vector<16xf32>
      %gather3A_189 = tpu.vector_load_idx %arg16[%get3A_184] : memref<1024xf32, #tpu.memory_space<vmem>>[vector<16xi32>], vector<16xf32>,
      %get3A_190 = arith.index_cast %mul3A_182 : i32 to index
      %get3A_191 = tpu.vector_load %arg11[%get3A_190] {strides = array<i32>} : memref<10000xf32, #tpu.memory_space<vmem>>, vector<16xf32>,
      %mul3A_192 = arith.mulf %gather3A_189, %get3A_191 : vector<16xf32>
      %add3A_193 = arith.addf %mul3A_188, %mul3A_192 : vector<16xf32>
      %gather3A_194 = tpu.vector_load_idx %arg17[%get3A_184] : memref<1024xf32, #tpu.memory_space<vmem>>[vector<16xi32>], vector<16xf32>,
      %add3A_195 = arith.addf %add3A_193, %gather3A_194 : vector<16xf32>
      %abs3A_196 = math.absf %add3A_195 : vector<16xf32>
      %neg3A_197 = arith.constant 0.000000e+00 : f32
      %neg3A_198 = vector.broadcast %neg3A_197 : f32 to vector<16xf32>
      %neg3A_199 = arith.subf %neg3A_198, %abs3A_196 : vector<16xf32>
      %exp3A_200 = math.exp %neg3A_199 : vector<16xf32>
      %mul3A_201 = arith.constant -0.00607487746 : f32
      %mul3A_202 = vector.broadcast %mul3A_201 : f32 to vector<16xf32>
      %mul3A_203 = arith.mulf %exp3A_200, %mul3A_202 : vector<16xf32>
      %add3A_204 = arith.constant 0.0344185941 : f32
      %add3A_205 = vector.broadcast %add3A_204 : f32 to vector<16xf32>
      %add3A_206 = arith.addf %add3A_205, %mul3A_203 : vector<16xf32>
      %mul3A_207 = arith.mulf %exp3A_200, %add3A_206 : vector<16xf32>
      %add3A_208 = arith.constant -0.0923137664 : f32
      %add3A_209 = vector.broadcast %add3A_208 : f32 to vector<16xf32>
      %add3A_210 = arith.addf %add3A_209, %mul3A_207 : vector<16xf32>
      %mul3A_211 = arith.mulf %exp3A_200, %add3A_210 : vector<16xf32>
      %add3A_212 = arith.constant 0.164783493 : f32
      %add3A_213 = vector.broadcast %add3A_212 : f32 to vector<16xf32>
      %add3A_214 = arith.addf %add3A_213, %mul3A_211 : vector<16xf32>
      %mul3A_215 = arith.mulf %exp3A_200, %add3A_214 : vector<16xf32>
      %add3A_216 = arith.constant -0.239190713 : f32
      %add3A_217 = vector.broadcast %add3A_216 : f32 to vector<16xf32>
      %add3A_218 = arith.addf %add3A_217, %mul3A_215 : vector<16xf32>
      %mul3A_219 = arith.mulf %exp3A_200, %add3A_218 : vector<16xf32>
      %add3A_220 = arith.constant 3.313340e-01 : f32
      %add3A_221 = vector.broadcast %add3A_220 : f32 to vector<16xf32>
      %add3A_222 = arith.addf %add3A_221, %mul3A_219 : vector<16xf32>
      %mul3A_223 = arith.mulf %exp3A_200, %add3A_222 : vector<16xf32>
      %add3A_224 = arith.constant -0.499801159 : f32
      %add3A_225 = vector.broadcast %add3A_224 : f32 to vector<16xf32>
      %add3A_226 = arith.addf %add3A_225, %mul3A_223 : vector<16xf32>
      %mul3A_227 = arith.mulf %exp3A_200, %add3A_226 : vector<16xf32>
      %add3A_228 = arith.constant 0.999991476 : f32
      %add3A_229 = vector.broadcast %add3A_228 : f32 to vector<16xf32>
      %add3A_230 = arith.addf %add3A_229, %mul3A_227 : vector<16xf32>
      %mul3A_231 = arith.mulf %exp3A_200, %add3A_230 : vector<16xf32>
      %add3A_232 = arith.constant 9.08378794E-8 : f32
      %add3A_233 = vector.broadcast %add3A_232 : f32 to vector<16xf32>
      %add3A_234 = arith.addf %add3A_233, %mul3A_231 : vector<16xf32>
      %max3A_235 = arith.constant 0.000000e+00 : f32
      %max3A_236 = vector.broadcast %max3A_235 : f32 to vector<16xf32>
      %max3A_237 = arith.maximumf %add3A_195, %max3A_236 : vector<16xf32>
      %add3A_238 = arith.addf %max3A_237, %add3A_234 : vector<16xf32>
      %swap3A_239 = arith.index_cast %mul3A_182 : i32 to index
      %swap3A_240 = tpu.vector_load %arg13[%swap3A_239] {strides = array<i32>} : memref<10000xf32, #tpu.memory_space<vmem>>, vector<16xf32>,
      tpu.vector_store %arg13[%swap3A_239], %add3A_238 {strides = array<i32>} : memref<10000xf32, #tpu.memory_space<vmem>>, vector<16xf32>,
      %add3A_241 = vector.broadcast %add3A_180 : i32 to vector<16xi32>
      %add3A_242 = arith.addi %iota3A, %add3A_241 : vector<16xi32>
      %and3A_243 = arith.constant 15 : i32
      %and3A_244 = vector.broadcast %and3A_243 : i32 to vector<16xi32>
      %and3A_245 = arith.andi %add3A_242, %and3A_244 : vector<16xi32>
      %mul3A_246 = arith.constant 1024 : i32
      %mul3A_247 = vector.broadcast %mul3A_246 : i32 to vector<16xi32>
      %mul3A_248 = arith.muli %and3A_245, %mul3A_247 : vector<16xi32>
      %add3A_249 = arith.addi %mul3A_248, %get3A_184 : vector<16xi32>
      tpu.vector_store_idx %arg14[%add3A_249], %add3A_238 {add = true} : memref<16384xf32, #tpu.memory_space<vmem>>[vector<16xi32>], vector<16xf32>,
      %mul3A_250 = arith.constant 5 : i32
      %mul3A_251 = arith.muli %scan3A_37, %mul3A_250 : i32
      %add3A_252 = arith.constant 3 : i32
      %add3A_253 = arith.addi %mul3A_251, %add3A_252 : i32
      %mul3A_254 = arith.constant 16 : i32
      %mul3A_255 = arith.muli %add3A_253, %mul3A_254 : i32
      %get3A_256 = arith.index_cast %mul3A_255 : i32 to index
      %get3A_257 = tpu.vector_load %arg12[%get3A_256] {strides = array<i32>} : memref<10000xi32, #tpu.memory_space<vmem>>, vector<16xi32>,
      %gather3A_258 = tpu.vector_load_idx %arg15[%get3A_257] : memref<1024xf32, #tpu.memory_space<vmem>>[vector<16xi32>], vector<16xf32>,
      %get3A_259 = arith.index_cast %mul3A_255 : i32 to index
      %get3A_260 = tpu.vector_load %arg10[%get3A_259] {strides = array<i32>} : memref<10000xf32, #tpu.memory_space<vmem>>, vector<16xf32>,
      %mul3A_261 = arith.mulf %gather3A_258, %get3A_260 : vector<16xf32>
      %gather3A_262 = tpu.vector_load_idx %arg16[%get3A_257] : memref<1024xf32, #tpu.memory_space<vmem>>[vector<16xi32>], vector<16xf32>,
      %get3A_263 = arith.index_cast %mul3A_255 : i32 to index
      %get3A_264 = tpu.vector_load %arg11[%get3A_263] {strides = array<i32>} : memref<10000xf32, #tpu.memory_space<vmem>>, vector<16xf32>,
      %mul3A_265 = arith.mulf %gather3A_262, %get3A_264 : vector<16xf32>
      %add3A_266 = arith.addf %mul3A_261, %mul3A_265 : vector<16xf32>
      %gather3A_267 = tpu.vector_load_idx %arg17[%get3A_257] : memref<1024xf32, #tpu.memory_space<vmem>>[vector<16xi32>], vector<16xf32>,
      %add3A_268 = arith.addf %add3A_266, %gather3A_267 : vector<16xf32>
      %abs3A_269 = math.absf %add3A_268 : vector<16xf32>
      %neg3A_270 = arith.constant 0.000000e+00 : f32
      %neg3A_271 = vector.broadcast %neg3A_270 : f32 to vector<16xf32>
      %neg3A_272 = arith.subf %neg3A_271, %abs3A_269 : vector<16xf32>
      %exp3A_273 = math.exp %neg3A_272 : vector<16xf32>
      %mul3A_274 = arith.constant -0.00607487746 : f32
      %mul3A_275 = vector.broadcast %mul3A_274 : f32 to vector<16xf32>
      %mul3A_276 = arith.mulf %exp3A_273, %mul3A_275 : vector<16xf32>
      %add3A_277 = arith.constant 0.0344185941 : f32
      %add3A_278 = vector.broadcast %add3A_277 : f32 to vector<16xf32>
      %add3A_279 = arith.addf %add3A_278, %mul3A_276 : vector<16xf32>
      %mul3A_280 = arith.mulf %exp3A_273, %add3A_279 : vector<16xf32>
      %add3A_281 = arith.constant -0.0923137664 : f32
      %add3A_282 = vector.broadcast %add3A_281 : f32 to vector<16xf32>
      %add3A_283 = arith.addf %add3A_282, %mul3A_280 : vector<16xf32>
      %mul3A_284 = arith.mulf %exp3A_273, %add3A_283 : vector<16xf32>
      %add3A_285 = arith.constant 0.164783493 : f32
      %add3A_286 = vector.broadcast %add3A_285 : f32 to vector<16xf32>
      %add3A_287 = arith.addf %add3A_286, %mul3A_284 : vector<16xf32>
      %mul3A_288 = arith.mulf %exp3A_273, %add3A_287 : vector<16xf32>
      %add3A_289 = arith.constant -0.239190713 : f32
      %add3A_290 = vector.broadcast %add3A_289 : f32 to vector<16xf32>
      %add3A_291 = arith.addf %add3A_290, %mul3A_288 : vector<16xf32>
      %mul3A_292 = arith.mulf %exp3A_273, %add3A_291 : vector<16xf32>
      %add3A_293 = arith.constant 3.313340e-01 : f32
      %add3A_294 = vector.broadcast %add3A_293 : f32 to vector<16xf32>
      %add3A_295 = arith.addf %add3A_294, %mul3A_292 : vector<16xf32>
      %mul3A_296 = arith.mulf %exp3A_273, %add3A_295 : vector<16xf32>
      %add3A_297 = arith.constant -0.499801159 : f32
      %add3A_298 = vector.broadcast %add3A_297 : f32 to vector<16xf32>
      %add3A_299 = arith.addf %add3A_298, %mul3A_296 : vector<16xf32>
      %mul3A_300 = arith.mulf %exp3A_273, %add3A_299 : vector<16xf32>
      %add3A_301 = arith.constant 0.999991476 : f32
      %add3A_302 = vector.broadcast %add3A_301 : f32 to vector<16xf32>
      %add3A_303 = arith.addf %add3A_302, %mul3A_300 : vector<16xf32>
      %mul3A_304 = arith.mulf %exp3A_273, %add3A_303 : vector<16xf32>
      %add3A_305 = arith.constant 9.08378794E-8 : f32
      %add3A_306 = vector.broadcast %add3A_305 : f32 to vector<16xf32>
      %add3A_307 = arith.addf %add3A_306, %mul3A_304 : vector<16xf32>
      %max3A_308 = arith.constant 0.000000e+00 : f32
      %max3A_309 = vector.broadcast %max3A_308 : f32 to vector<16xf32>
      %max3A_310 = arith.maximumf %add3A_268, %max3A_309 : vector<16xf32>
      %add3A_311 = arith.addf %max3A_310, %add3A_307 : vector<16xf32>
      %swap3A_312 = arith.index_cast %mul3A_255 : i32 to index
      %swap3A_313 = tpu.vector_load %arg13[%swap3A_312] {strides = array<i32>} : memref<10000xf32, #tpu.memory_space<vmem>>, vector<16xf32>,
      tpu.vector_store %arg13[%swap3A_312], %add3A_311 {strides = array<i32>} : memref<10000xf32, #tpu.memory_space<vmem>>, vector<16xf32>,
      %add3A_314 = vector.broadcast %add3A_253 : i32 to vector<16xi32>
      %add3A_315 = arith.addi %iota3A, %add3A_314 : vector<16xi32>
      %and3A_316 = arith.constant 15 : i32
      %and3A_317 = vector.broadcast %and3A_316 : i32 to vector<16xi32>
      %and3A_318 = arith.andi %add3A_315, %and3A_317 : vector<16xi32>
      %mul3A_319 = arith.constant 1024 : i32
      %mul3A_320 = vector.broadcast %mul3A_319 : i32 to vector<16xi32>
      %mul3A_321 = arith.muli %and3A_318, %mul3A_320 : vector<16xi32>
      %add3A_322 = arith.addi %mul3A_321, %get3A_257 : vector<16xi32>
      tpu.vector_store_idx %arg14[%add3A_322], %add3A_311 {add = true} : memref<16384xf32, #tpu.memory_space<vmem>>[vector<16xi32>], vector<16xf32>,
      %mul3A_323 = arith.constant 5 : i32
      %mul3A_324 = arith.muli %scan3A_37, %mul3A_323 : i32
      %add3A_325 = arith.constant 4 : i32
      %add3A_326 = arith.addi %mul3A_324, %add3A_325 : i32
      %mul3A_327 = arith.constant 16 : i32
      %mul3A_328 = arith.muli %add3A_326, %mul3A_327 : i32
      %get3A_329 = arith.index_cast %mul3A_328 : i32 to index
      %get3A_330 = tpu.vector_load %arg12[%get3A_329] {strides = array<i32>} : memref<10000xi32, #tpu.memory_space<vmem>>, vector<16xi32>,
      %gather3A_331 = tpu.vector_load_idx %arg15[%get3A_330] : memref<1024xf32, #tpu.memory_space<vmem>>[vector<16xi32>], vector<16xf32>,
      %get3A_332 = arith.index_cast %mul3A_328 : i32 to index
      %get3A_333 = tpu.vector_load %arg10[%get3A_332] {strides = array<i32>} : memref<10000xf32, #tpu.memory_space<vmem>>, vector<16xf32>,
      %mul3A_334 = arith.mulf %gather3A_331, %get3A_333 : vector<16xf32>
      %gather3A_335 = tpu.vector_load_idx %arg16[%get3A_330] : memref<1024xf32, #tpu.memory_space<vmem>>[vector<16xi32>], vector<16xf32>,
      %get3A_336 = arith.index_cast %mul3A_328 : i32 to index
      %get3A_337 = tpu.vector_load %arg11[%get3A_336] {strides = array<i32>} : memref<10000xf32, #tpu.memory_space<vmem>>, vector<16xf32>,
      %mul3A_338 = arith.mulf %gather3A_335, %get3A_337 : vector<16xf32>
      %add3A_339 = arith.addf %mul3A_334, %mul3A_338 : vector<16xf32>
      %gather3A_340 = tpu.vector_load_idx %arg17[%get3A_330] : memref<1024xf32, #tpu.memory_space<vmem>>[vector<16xi32>], vector<16xf32>,
      %add3A_341 = arith.addf %add3A_339, %gather3A_340 : vector<16xf32>
      %abs3A_342 = math.absf %add3A_341 : vector<16xf32>
      %neg3A_343 = arith.constant 0.000000e+00 : f32
      %neg3A_344 = vector.broadcast %neg3A_343 : f32 to vector<16xf32>
      %neg3A_345 = arith.subf %neg3A_344, %abs3A_342 : vector<16xf32>
      %exp3A_346 = math.exp %neg3A_345 : vector<16xf32>
      %mul3A_347 = arith.constant -0.00607487746 : f32
      %mul3A_348 = vector.broadcast %mul3A_347 : f32 to vector<16xf32>
      %mul3A_349 = arith.mulf %exp3A_346, %mul3A_348 : vector<16xf32>
      %add3A_350 = arith.constant 0.0344185941 : f32
      %add3A_351 = vector.broadcast %add3A_350 : f32 to vector<16xf32>
      %add3A_352 = arith.addf %add3A_351, %mul3A_349 : vector<16xf32>
      %mul3A_353 = arith.mulf %exp3A_346, %add3A_352 : vector<16xf32>
      %add3A_354 = arith.constant -0.0923137664 : f32
      %add3A_355 = vector.broadcast %add3A_354 : f32 to vector<16xf32>
      %add3A_356 = arith.addf %add3A_355, %mul3A_353 : vector<16xf32>
      %mul3A_357 = arith.mulf %exp3A_346, %add3A_356 : vector<16xf32>
      %add3A_358 = arith.constant 0.164783493 : f32
      %add3A_359 = vector.broadcast %add3A_358 : f32 to vector<16xf32>
      %add3A_360 = arith.addf %add3A_359, %mul3A_357 : vector<16xf32>
      %mul3A_361 = arith.mulf %exp3A_346, %add3A_360 : vector<16xf32>
      %add3A_362 = arith.constant -0.239190713 : f32
      %add3A_363 = vector.broadcast %add3A_362 : f32 to vector<16xf32>
      %add3A_364 = arith.addf %add3A_363, %mul3A_361 : vector<16xf32>
      %mul3A_365 = arith.mulf %exp3A_346, %add3A_364 : vector<16xf32>
      %add3A_366 = arith.constant 3.313340e-01 : f32
      %add3A_367 = vector.broadcast %add3A_366 : f32 to vector<16xf32>
      %add3A_368 = arith.addf %add3A_367, %mul3A_365 : vector<16xf32>
      %mul3A_369 = arith.mulf %exp3A_346, %add3A_368 : vector<16xf32>
      %add3A_370 = arith.constant -0.499801159 : f32
      %add3A_371 = vector.broadcast %add3A_370 : f32 to vector<16xf32>
      %add3A_372 = arith.addf %add3A_371, %mul3A_369 : vector<16xf32>
      %mul3A_373 = arith.mulf %exp3A_346, %add3A_372 : vector<16xf32>
      %add3A_374 = arith.constant 0.999991476 : f32
      %add3A_375 = vector.broadcast %add3A_374 : f32 to vector<16xf32>
      %add3A_376 = arith.addf %add3A_375, %mul3A_373 : vector<16xf32>
      %mul3A_377 = arith.mulf %exp3A_346, %add3A_376 : vector<16xf32>
      %add3A_378 = arith.constant 9.08378794E-8 : f32
      %add3A_379 = vector.broadcast %add3A_378 : f32 to vector<16xf32>
      %add3A_380 = arith.addf %add3A_379, %mul3A_377 : vector<16xf32>
      %max3A_381 = arith.constant 0.000000e+00 : f32
      %max3A_382 = vector.broadcast %max3A_381 : f32 to vector<16xf32>
      %max3A_383 = arith.maximumf %add3A_341, %max3A_382 : vector<16xf32>
      %add3A_384 = arith.addf %max3A_383, %add3A_380 : vector<16xf32>
      %swap3A_385 = arith.index_cast %mul3A_328 : i32 to index
      %swap3A_386 = tpu.vector_load %arg13[%swap3A_385] {strides = array<i32>} : memref<10000xf32, #tpu.memory_space<vmem>>, vector<16xf32>,
      tpu.vector_store %arg13[%swap3A_385], %add3A_384 {strides = array<i32>} : memref<10000xf32, #tpu.memory_space<vmem>>, vector<16xf32>,
      %add3A_387 = vector.broadcast %add3A_326 : i32 to vector<16xi32>
      %add3A_388 = arith.addi %iota3A, %add3A_387 : vector<16xi32>
      %and3A_389 = arith.constant 15 : i32
      %and3A_390 = vector.broadcast %and3A_389 : i32 to vector<16xi32>
      %and3A_391 = arith.andi %add3A_388, %and3A_390 : vector<16xi32>
      %mul3A_392 = arith.constant 1024 : i32
      %mul3A_393 = vector.broadcast %mul3A_392 : i32 to vector<16xi32>
      %mul3A_394 = arith.muli %and3A_391, %mul3A_393 : vector<16xi32>
      %add3A_395 = arith.addi %mul3A_394, %get3A_330 : vector<16xi32>
      tpu.vector_store_idx %arg14[%add3A_395], %add3A_384 {add = true} : memref<16384xf32, #tpu.memory_space<vmem>>[vector<16xi32>], vector<16xf32>,
      %scan3A_396 = arith.constant 0 : i32
      scf.yield %scan3A_396 : i32
    }
    %scan3A_29 = arith.constant 125 : i32
    %scan3A_30 = arith.constant 0 : i32
    %scan3A_31 = arith.constant 0 : i32
    %scan3A_32 = arith.constant 64 : i32
    %scan3A_33 = arith.addi %scan3A_31, %scan3A_32 : i32
    %scan3A_34 = arith.constant 1 : i32
    %scan3A_35 = scf.for %scan3A_37 = %scan3A_31 to %scan3A_33 step %scan3A_34 iter_args(%scan3A_38 = %scan3A_30) -> (i32)  : i32 {
      %mul3A_39 = arith.constant 16 : i32
      %mul3A_40 = arith.muli %scan3A_37, %mul3A_39 : i32
      %add3A_41 = arith.constant 0 : i32
      %add3A_42 = arith.addi %add3A_41, %mul3A_40 : i32
      %get3A = arith.index_cast %add3A_42 : i32 to index
      %get3A_43 = tpu.vector_load %arg14[%get3A] {strides = array<i32>} : memref<16384xf32, #tpu.memory_space<vmem>>, vector<16xf32>,
      %add3A_44 = arith.addf %broadcast_in_dim3A_11, %get3A_43 : vector<16xf32>
      %mul3A_45 = arith.constant 16 : i32
      %mul3A_46 = arith.muli %scan3A_37, %mul3A_45 : i32
      %add3A_47 = arith.constant 1024 : i32
      %add3A_48 = arith.addi %add3A_47, %mul3A_46 : i32
      %get3A_49 = arith.index_cast %add3A_48 : i32 to index
      %get3A_50 = tpu.vector_load %arg14[%get3A_49] {strides = array<i32>} : memref<16384xf32, #tpu.memory_space<vmem>>, vector<16xf32>,
      %add3A_51 = arith.addf %add3A_44, %get3A_50 : vector<16xf32>
      %mul3A_52 = arith.constant 16 : i32
      %mul3A_53 = arith.muli %scan3A_37, %mul3A_52 : i32
      %add3A_54 = arith.constant 2048 : i32
      %add3A_55 = arith.addi %add3A_54, %mul3A_53 : i32
      %get3A_56 = arith.index_cast %add3A_55 : i32 to index
      %get3A_57 = tpu.vector_load %arg14[%get3A_56] {strides = array<i32>} : memref<16384xf32, #tpu.memory_space<vmem>>, vector<16xf32>,
      %add3A_58 = arith.addf %add3A_51, %get3A_57 : vector<16xf32>
      %mul3A_59 = arith.constant 16 : i32
      %mul3A_60 = arith.muli %scan3A_37, %mul3A_59 : i32
      %add3A_61 = arith.constant 3072 : i32
      %add3A_62 = arith.addi %add3A_61, %mul3A_60 : i32
      %get3A_63 = arith.index_cast %add3A_62 : i32 to index
      %get3A_64 = tpu.vector_load %arg14[%get3A_63] {strides = array<i32>} : memref<16384xf32, #tpu.memory_space<vmem>>, vector<16xf32>,
      %add3A_65 = arith.addf %add3A_58, %get3A_64 : vector<16xf32>
      %mul3A_66 = arith.constant 16 : i32
      %mul3A_67 = arith.muli %scan3A_37, %mul3A_66 : i32
      %add3A_68 = arith.constant 4096 : i32
      %add3A_69 = arith.addi %add3A_68, %mul3A_67 : i32
      %get3A_70 = arith.index_cast %add3A_69 : i32 to index
      %get3A_71 = tpu.vector_load %arg14[%get3A_70] {strides = array<i32>} : memref<16384xf32, #tpu.memory_space<vmem>>, vector<16xf32>,
      %add3A_72 = arith.addf %add3A_65, %get3A_71 : vector<16xf32>
      %mul3A_73 = arith.constant 16 : i32
      %mul3A_74 = arith.muli %scan3A_37, %mul3A_73 : i32
      %add3A_75 = arith.constant 5120 : i32
      %add3A_76 = arith.addi %add3A_75, %mul3A_74 : i32
      %get3A_77 = arith.index_cast %add3A_76 : i32 to index
      %get3A_78 = tpu.vector_load %arg14[%get3A_77] {strides = array<i32>} : memref<16384xf32, #tpu.memory_space<vmem>>, vector<16xf32>,
      %add3A_79 = arith.addf %add3A_72, %get3A_78 : vector<16xf32>
      %mul3A_80 = arith.constant 16 : i32
      %mul3A_81 = arith.muli %scan3A_37, %mul3A_80 : i32
      %add3A_82 = arith.constant 6144 : i32
      %add3A_83 = arith.addi %add3A_82, %mul3A_81 : i32
      %get3A_84 = arith.index_cast %add3A_83 : i32 to index
      %get3A_85 = tpu.vector_load %arg14[%get3A_84] {strides = array<i32>} : memref<16384xf32, #tpu.memory_space<vmem>>, vector<16xf32>,
      %add3A_86 = arith.addf %add3A_79, %get3A_85 : vector<16xf32>
      %mul3A_87 = arith.constant 16 : i32
      %mul3A_88 = arith.muli %scan3A_37, %mul3A_87 : i32
      %add3A_89 = arith.constant 7168 : i32
      %add3A_90 = arith.addi %add3A_89, %mul3A_88 : i32
      %get3A_91 = arith.index_cast %add3A_90 : i32 to index
      %get3A_92 = tpu.vector_load %arg14[%get3A_91] {strides = array<i32>} : memref<16384xf32, #tpu.memory_space<vmem>>, vector<16xf32>,
      %add3A_93 = arith.addf %add3A_86, %get3A_92 : vector<16xf32>
      %mul3A_94 = arith.constant 16 : i32
      %mul3A_95 = arith.muli %scan3A_37, %mul3A_94 : i32
      %add3A_96 = arith.constant 8192 : i32
      %add3A_97 = arith.addi %add3A_96, %mul3A_95 : i32
      %get3A_98 = arith.index_cast %add3A_97 : i32 to index
      %get3A_99 = tpu.vector_load %arg14[%get3A_98] {strides = array<i32>} : memref<16384xf32, #tpu.memory_space<vmem>>, vector<16xf32>,
      %add3A_100 = arith.addf %add3A_93, %get3A_99 : vector<16xf32>
      %mul3A_101 = arith.constant 16 : i32
      %mul3A_102 = arith.muli %scan3A_37, %mul3A_101 : i32
      %add3A_103 = arith.constant 9216 : i32
      %add3A_104 = arith.addi %add3A_103, %mul3A_102 : i32
      %get3A_105 = arith.index_cast %add3A_104 : i32 to index
      %get3A_106 = tpu.vector_load %arg14[%get3A_105] {strides = array<i32>} : memref<16384xf32, #tpu.memory_space<vmem>>, vector<16xf32>,
      %add3A_107 = arith.addf %add3A_100, %get3A_106 : vector<16xf32>
      %mul3A_108 = arith.constant 16 : i32
      %mul3A_109 = arith.muli %scan3A_37, %mul3A_108 : i32
      %add3A_110 = arith.constant 10240 : i32
      %add3A_111 = arith.addi %add3A_110, %mul3A_109 : i32
      %get3A_112 = arith.index_cast %add3A_111 : i32 to index
      %get3A_113 = tpu.vector_load %arg14[%get3A_112] {strides = array<i32>} : memref<16384xf32, #tpu.memory_space<vmem>>, vector<16xf32>,
      %add3A_114 = arith.addf %add3A_107, %get3A_113 : vector<16xf32>
      %mul3A_115 = arith.constant 16 : i32
      %mul3A_116 = arith.muli %scan3A_37, %mul3A_115 : i32
      %add3A_117 = arith.constant 11264 : i32
      %add3A_118 = arith.addi %add3A_117, %mul3A_116 : i32
      %get3A_119 = arith.index_cast %add3A_118 : i32 to index
      %get3A_120 = tpu.vector_load %arg14[%get3A_119] {strides = array<i32>} : memref<16384xf32, #tpu.memory_space<vmem>>, vector<16xf32>,
      %add3A_121 = arith.addf %add3A_114, %get3A_120 : vector<16xf32>
      %mul3A_122 = arith.constant 16 : i32
      %mul3A_123 = arith.muli %scan3A_37, %mul3A_122 : i32
      %add3A_124 = arith.constant 12288 : i32
      %add3A_125 = arith.addi %add3A_124, %mul3A_123 : i32
      %get3A_126 = arith.index_cast %add3A_125 : i32 to index
      %get3A_127 = tpu.vector_load %arg14[%get3A_126] {strides = array<i32>} : memref<16384xf32, #tpu.memory_space<vmem>>, vector<16xf32>,
      %add3A_128 = arith.addf %add3A_121, %get3A_127 : vector<16xf32>
      %mul3A_129 = arith.constant 16 : i32
      %mul3A_130 = arith.muli %scan3A_37, %mul3A_129 : i32
      %add3A_131 = arith.constant 13312 : i32
      %add3A_132 = arith.addi %add3A_131, %mul3A_130 : i32
      %get3A_133 = arith.index_cast %add3A_132 : i32 to index
      %get3A_134 = tpu.vector_load %arg14[%get3A_133] {strides = array<i32>} : memref<16384xf32, #tpu.memory_space<vmem>>, vector<16xf32>,
      %add3A_135 = arith.addf %add3A_128, %get3A_134 : vector<16xf32>
      %mul3A_136 = arith.constant 16 : i32
      %mul3A_137 = arith.muli %scan3A_37, %mul3A_136 : i32
      %add3A_138 = arith.constant 14336 : i32
      %add3A_139 = arith.addi %add3A_138, %mul3A_137 : i32
      %get3A_140 = arith.index_cast %add3A_139 : i32 to index
      %get3A_141 = tpu.vector_load %arg14[%get3A_140] {strides = array<i32>} : memref<16384xf32, #tpu.memory_space<vmem>>, vector<16xf32>,
      %add3A_142 = arith.addf %add3A_135, %get3A_141 : vector<16xf32>
      %mul3A_143 = arith.constant 16 : i32
      %mul3A_144 = arith.muli %scan3A_37, %mul3A_143 : i32
      %add3A_145 = arith.constant 15360 : i32
      %add3A_146 = arith.addi %add3A_145, %mul3A_144 : i32
      %get3A_147 = arith.index_cast %add3A_146 : i32 to index
      %get3A_148 = tpu.vector_load %arg14[%get3A_147] {strides = array<i32>} : memref<16384xf32, #tpu.memory_space<vmem>>, vector<16xf32>,
      %add3A_149 = arith.addf %add3A_142, %get3A_148 : vector<16xf32>
      %mul3A_150 = arith.constant 16 : i32
      %mul3A_151 = arith.muli %scan3A_37, %mul3A_150 : i32
      %swap3A = arith.index_cast %mul3A_151 : i32 to index
      %swap3A_152 = tpu.vector_load %arg18[%swap3A] {strides = array<i32>} : memref<1024xf32, #tpu.memory_space<vmem>>, vector<16xf32>,
      tpu.vector_store %arg18[%swap3A], %add3A_149 {strides = array<i32>} : memref<1024xf32, #tpu.memory_space<vmem>>, vector<16xf32>,
      %scan3A_153 = arith.constant 0 : i32
      scf.yield %scan3A_153 : i32
    }
    %scan3A_36 = arith.constant 64 : i32
    "tpu.region"() ({
      %run_scoped3A = tpu.sem_alloc : memref<!tpu.dma_semaphore, #tpu.memory_space<semaphore_mem>>
      %dma_start3A_37 = tpu.memref_slice %arg8[%mul3A_2] : memref<320000xf32, #tpu.memory_space<hbm>> -> memref<10000xf32, #tpu.memory_space<hbm>>
      %dma_start3A_38 = tpu.memref_slice %arg8[%mul3A_2] : memref<320000xf32, #tpu.memory_space<hbm>> -> memref<10000xf32, #tpu.memory_space<hbm>>
      tpu.enqueue_dma source(%arg13 : memref<10000xf32, #tpu.memory_space<vmem>>) target(%dma_start3A_38 : memref<10000xf32, #tpu.memory_space<hbm>>) target_semaphore(%run_scoped3A : memref<!tpu.dma_semaphore, #tpu.memory_space<semaphore_mem>>)
      %dma_wait3A_39 = tpu.memref_slice %arg8[%mul3A_2] : memref<320000xf32, #tpu.memory_space<hbm>> -> memref<10000xf32, #tpu.memory_space<hbm>>
      %dma_wait3A_40 = tpu.memref_slice %arg8[%mul3A_2] : memref<320000xf32, #tpu.memory_space<hbm>> -> memref<10000xf32, #tpu.memory_space<hbm>>
      tpu.wait_dma2 semaphore(%run_scoped3A : memref<!tpu.dma_semaphore, #tpu.memory_space<semaphore_mem>>) src(%arg13 : memref<10000xf32, #tpu.memory_space<vmem>>) dst(%dma_wait3A_40 : memref<10000xf32, #tpu.memory_space<hbm>>)
      tpu.yield
    }) : () -> ()
    "tpu.region"() ({
      %run_scoped3A = tpu.sem_alloc : memref<!tpu.dma_semaphore, #tpu.memory_space<semaphore_mem>>
      %dma_start3A_37 = arith.constant 0 : i32
      %dma_start3A_38 = tpu.memref_slice %arg9[%add3A, %dma_start3A_37] : memref<32x1024xf32, #tpu.memory_space<hbm>> -> memref<1x1024xf32, #tpu.memory_space<hbm>>
      %dma_start3A_39 = tpu.memref_squeeze %dma_start3A_38 : memref<1x1024xf32, #tpu.memory_space<hbm>> -> memref<1024xf32, #tpu.memory_space<hbm>>
      %dma_start3A_40 = arith.constant 0 : i32
      %dma_start3A_41 = tpu.memref_slice %arg9[%add3A, %dma_start3A_40] : memref<32x1024xf32, #tpu.memory_space<hbm>> -> memref<1x1024xf32, #tpu.memory_space<hbm>>
      %dma_start3A_42 = tpu.memref_squeeze %dma_start3A_41 : memref<1x1024xf32, #tpu.memory_space<hbm>> -> memref<1024xf32, #tpu.memory_space<hbm>>
      tpu.enqueue_dma source(%arg18 : memref<1024xf32, #tpu.memory_space<vmem>>) target(%dma_start3A_42 : memref<1024xf32, #tpu.memory_space<hbm>>) target_semaphore(%run_scoped3A : memref<!tpu.dma_semaphore, #tpu.memory_space<semaphore_mem>>)
      %dma_wait3A_43 = arith.constant 0 : i32
      %dma_wait3A_44 = tpu.memref_slice %arg9[%add3A, %dma_wait3A_43] : memref<32x1024xf32, #tpu.memory_space<hbm>> -> memref<1x1024xf32, #tpu.memory_space<hbm>>
      %dma_wait3A_45 = tpu.memref_squeeze %dma_wait3A_44 : memref<1x1024xf32, #tpu.memory_space<hbm>> -> memref<1024xf32, #tpu.memory_space<hbm>>
      %dma_wait3A_46 = arith.constant 0 : i32
      %dma_wait3A_47 = tpu.memref_slice %arg9[%add3A, %dma_wait3A_46] : memref<32x1024xf32, #tpu.memory_space<hbm>> -> memref<1x1024xf32, #tpu.memory_space<hbm>>
      %dma_wait3A_48 = tpu.memref_squeeze %dma_wait3A_47 : memref<1x1024xf32, #tpu.memory_space<hbm>> -> memref<1024xf32, #tpu.memory_space<hbm>>
      tpu.wait_dma2 semaphore(%run_scoped3A : memref<!tpu.dma_semaphore, #tpu.memory_space<semaphore_mem>>) src(%arg18 : memref<1024xf32, #tpu.memory_space<vmem>>) dst(%dma_wait3A_48 : memref<1024xf32, #tpu.memory_space<hbm>>)
      tpu.yield
    }) : () -> ()
    return
  }
}

module attributes {stable_mosaic.version = 14 : i64} {
  func.func @_tb_body(%arg0: i32, %arg1: memref<320000xf32, #tpu.memory_space<vmem>>, %arg2: memref<320000xf32, #tpu.memory_space<vmem>>, %arg3: memref<2x128xf32, #tpu.memory_space<vmem>>, %arg4: memref<128x128xbf16, #tpu.memory_space<vmem>>, %arg5: memref<128x128xbf16, #tpu.memory_space<vmem>>, %arg6: memref<16000x128xf32, #tpu.memory_space<vmem>>) attributes {dimension_semantics = [#tpu.dimension_semantics<arbitrary>], iteration_bounds = array<i64: 20>, scalar_prefetch = 0 : i64, scratch_operands = 0 : i64, tpu.core_type = #tpu.core_type<tc>, window_params = [{pipeline_mode = #tpu.pipeline_mode<synchronous>, transform_indices = @transform_0, window_bounds = array<i64: 320000>}, {pipeline_mode = #tpu.pipeline_mode<synchronous>, transform_indices = @transform_1, window_bounds = array<i64: 320000>}, {pipeline_mode = #tpu.pipeline_mode<synchronous>, transform_indices = @transform_2, window_bounds = array<i64: 2, 128>}, {pipeline_mode = #tpu.pipeline_mode<synchronous>, transform_indices = @transform_3, window_bounds = array<i64: 128, 128>}, {pipeline_mode = #tpu.pipeline_mode<synchronous>, transform_indices = @transform_4, window_bounds = array<i64: 128, 128>}, {transform_indices = @transform_5, window_bounds = array<i64: 16000, 128>}]} {
    %get3A = arith.constant 0 : index
    %get3A_0 = arith.constant 0 : index
    %get3A_1 = vector.load %arg3[%get3A, %get3A_0] : memref<2x128xf32, #tpu.memory_space<vmem>>, vector<2x128xf32>
    %mul3A = arith.constant 16000 : i32
    %mul3A_2 = arith.muli %arg0, %mul3A : i32
    %get3A_3 = arith.index_cast %mul3A_2 : i32 to index
    %get3A_4 = vector.load %arg1[%get3A_3] : memref<320000xf32, #tpu.memory_space<vmem>>, vector<16000xf32>
    %reshape3A = vector.shape_cast %get3A_4 : vector<16000xf32> to vector<1x16000xf32>
    %mul3A_5 = arith.constant 16000 : i32
    %mul3A_6 = arith.muli %arg0, %mul3A_5 : i32
    %get3A_7 = arith.index_cast %mul3A_6 : i32 to index
    %get3A_8 = vector.load %arg2[%get3A_7] : memref<320000xf32, #tpu.memory_space<vmem>>, vector<16000xf32>
    %reshape3A_9 = vector.shape_cast %get3A_8 : vector<16000xf32> to vector<1x16000xf32>
    %convert_element_type3A = arith.truncf %reshape3A : vector<1x16000xf32> to vector<1x16000xbf16>
    %slice3A = vector.extract_strided_slice %get3A_1 {offsets = [0, 0], sizes = [1, 128], strides = [1, 1]} : vector<2x128xf32> to vector<1x128xf32>
    %convert_element_type3A_10 = arith.truncf %slice3A : vector<1x128xf32> to vector<1x128xbf16>
    %dot_general3A = arith.constant dense<0.000000e+00> : vector<16000x128xf32>
    %dot_general3A_11 = tpu.matmul %convert_element_type3A, %convert_element_type3A_10, %dot_general3A {dimension_numbers = #tpu.dot_dimension_numbers<[0], [0], [1], [1], [0, 1, 1, 1], [], []>, transpose_lhs_hint = false} : vector<1x16000xbf16>, vector<1x128xbf16>, vector<16000x128xf32> -> vector<16000x128xf32>
    %convert_element_type3A_12 = arith.truncf %reshape3A_9 : vector<1x16000xf32> to vector<1x16000xbf16>
    %slice3A_13 = vector.extract_strided_slice %get3A_1 {offsets = [1, 0], sizes = [1, 128], strides = [1, 1]} : vector<2x128xf32> to vector<1x128xf32>
    %convert_element_type3A_14 = arith.truncf %slice3A_13 : vector<1x128xf32> to vector<1x128xbf16>
    %dot_general3A_15 = arith.constant dense<0.000000e+00> : vector<16000x128xf32>
    %dot_general3A_16 = tpu.matmul %convert_element_type3A_12, %convert_element_type3A_14, %dot_general3A_15 {dimension_numbers = #tpu.dot_dimension_numbers<[0], [0], [1], [1], [0, 1, 1, 1], [], []>, transpose_lhs_hint = false} : vector<1x16000xbf16>, vector<1x128xbf16>, vector<16000x128xf32> -> vector<16000x128xf32>
    %add3A = arith.addf %dot_general3A_11, %dot_general3A_16 : vector<16000x128xf32>
    %convert_element_type3A_17 = arith.truncf %add3A : vector<16000x128xf32> to vector<16000x128xbf16>
    %mul3A_18 = arith.constant 5.000000e-01 : bf16
    %mul3A_19 = vector.broadcast %mul3A_18 : bf16 to vector<16000x128xbf16>
    %mul3A_20 = arith.mulf %mul3A_19, %convert_element_type3A_17 : vector<16000x128xbf16>
    %mul3A_21 = arith.constant 5.000000e-01 : bf16
    %mul3A_22 = vector.broadcast %mul3A_21 : bf16 to vector<16000x128xbf16>
    %mul3A_23 = arith.mulf %mul3A_22, %convert_element_type3A_17 : vector<16000x128xbf16>
    %tanh3A = math.tanh %mul3A_23 : vector<16000x128xbf16>
    %add3A_24 = arith.constant 1.000000e+00 : bf16
    %add3A_25 = vector.broadcast %add3A_24 : bf16 to vector<16000x128xbf16>
    %add3A_26 = arith.addf %add3A_25, %tanh3A : vector<16000x128xbf16>
    %mul3A_27 = arith.mulf %mul3A_20, %add3A_26 : vector<16000x128xbf16>
    %get3A_28 = arith.constant 0 : index
    %get3A_29 = arith.constant 0 : index
    %get3A_30 = vector.load %arg4[%get3A_28, %get3A_29] : memref<128x128xbf16, #tpu.memory_space<vmem>>, vector<128x128xbf16>
    %dot_general3A_31 = arith.constant dense<0.000000e+00> : vector<16000x128xf32>
    %dot_general3A_32 = tpu.matmul %mul3A_27, %get3A_30, %dot_general3A_31 {dimension_numbers = #tpu.dot_dimension_numbers<[1], [0], [0], [1], [0, 0, 1, 1], [], []>, transpose_lhs_hint = false} : vector<16000x128xbf16>, vector<128x128xbf16>, vector<16000x128xf32> -> vector<16000x128xf32>
    %convert_element_type3A_33 = arith.truncf %dot_general3A_32 : vector<16000x128xf32> to vector<16000x128xbf16>
    %mul3A_34 = arith.constant 5.000000e-01 : bf16
    %mul3A_35 = vector.broadcast %mul3A_34 : bf16 to vector<16000x128xbf16>
    %mul3A_36 = arith.mulf %mul3A_35, %convert_element_type3A_33 : vector<16000x128xbf16>
    %mul3A_37 = arith.constant 5.000000e-01 : bf16
    %mul3A_38 = vector.broadcast %mul3A_37 : bf16 to vector<16000x128xbf16>
    %mul3A_39 = arith.mulf %mul3A_38, %convert_element_type3A_33 : vector<16000x128xbf16>
    %tanh3A_40 = math.tanh %mul3A_39 : vector<16000x128xbf16>
    %add3A_41 = arith.constant 1.000000e+00 : bf16
    %add3A_42 = vector.broadcast %add3A_41 : bf16 to vector<16000x128xbf16>
    %add3A_43 = arith.addf %add3A_42, %tanh3A_40 : vector<16000x128xbf16>
    %mul3A_44 = arith.mulf %mul3A_36, %add3A_43 : vector<16000x128xbf16>
    %get3A_45 = arith.constant 0 : index
    %get3A_46 = arith.constant 0 : index
    %get3A_47 = vector.load %arg5[%get3A_45, %get3A_46] : memref<128x128xbf16, #tpu.memory_space<vmem>>, vector<128x128xbf16>
    %dot_general3A_48 = arith.constant dense<0.000000e+00> : vector<16000x128xf32>
    %dot_general3A_49 = tpu.matmul %mul3A_44, %get3A_47, %dot_general3A_48 {dimension_numbers = #tpu.dot_dimension_numbers<[1], [0], [0], [1], [0, 0, 1, 1], [], []>, transpose_lhs_hint = false} : vector<16000x128xbf16>, vector<128x128xbf16>, vector<16000x128xf32> -> vector<16000x128xf32>
    %add3A_50 = arith.addf %add3A, %dot_general3A_49 : vector<16000x128xf32>
    %swap3A = arith.constant 0 : index
    %swap3A_51 = arith.constant 0 : index
    %swap3A_52 = vector.load %arg6[%swap3A, %swap3A_51] : memref<16000x128xf32, #tpu.memory_space<vmem>>, vector<16000x128xf32>
    tpu.vector_store %arg6[%swap3A, %swap3A_51], %add3A_50 {strides = array<i32>} : memref<16000x128xf32, #tpu.memory_space<vmem>>, vector<16000x128xf32>,
    return
  }
  func.func @transform_0(%arg0: i32) -> i32 {
    %c0_i32 = arith.constant 0 : i32
    %c0_i32_0 = arith.constant 0 : i32
    return %c0_i32 : i32
  }
  func.func @transform_1(%arg0: i32) -> i32 {
    %c0_i32 = arith.constant 0 : i32
    %c0_i32_0 = arith.constant 0 : i32
    return %c0_i32 : i32
  }
  func.func @transform_2(%arg0: i32) -> (i32, i32) {
    %c0_i32 = arith.constant 0 : i32
    %c0_i32_0 = arith.constant 0 : i32
    %c0_i32_1 = arith.constant 0 : i32
    return %c0_i32, %c0_i32_0 : i32, i32
  }
  func.func @transform_3(%arg0: i32) -> (i32, i32) {
    %c0_i32 = arith.constant 0 : i32
    %c0_i32_0 = arith.constant 0 : i32
    %c0_i32_1 = arith.constant 0 : i32
    return %c0_i32, %c0_i32_0 : i32, i32
  }
  func.func @transform_4(%arg0: i32) -> (i32, i32) {
    %c0_i32 = arith.constant 0 : i32
    %c0_i32_0 = arith.constant 0 : i32
    %c0_i32_1 = arith.constant 0 : i32
    return %c0_i32, %c0_i32_0 : i32, i32
  }
  func.func @transform_5(%arg0: i32) -> (i32, i32) {
    %add3A = arith.constant 0 : i32
    %add3A_0 = arith.addi %arg0, %add3A : i32
    %c0_i32 = arith.constant 0 : i32
    %c0_i32_1 = arith.constant 0 : i32
    return %add3A_0, %c0_i32 : i32, i32
  }
}

module attributes {stable_mosaic.version = 14 : i64} {
  func.func @_ta_body(%arg0: i32, %arg1: memref<12800x128xf32, #tpu.memory_space<vmem>>, %arg2: memref<128x2xf32, #tpu.memory_space<vmem>>, %arg3: memref<320000xf32, #tpu.memory_space<vmem>>, %arg4: memref<320000xf32, #tpu.memory_space<vmem>>) attributes {dimension_semantics = [#tpu.dimension_semantics<arbitrary>], iteration_bounds = array<i64: 25>, scalar_prefetch = 0 : i64, scratch_operands = 0 : i64, tpu.core_type = #tpu.core_type<tc>, window_params = [{transform_indices = @transform_0, window_bounds = array<i64: 12800, 128>}, {pipeline_mode = #tpu.pipeline_mode<synchronous>, transform_indices = @transform_1, window_bounds = array<i64: 128, 2>}, {pipeline_mode = #tpu.pipeline_mode<synchronous>, transform_indices = @transform_2, window_bounds = array<i64: 320000>}, {pipeline_mode = #tpu.pipeline_mode<synchronous>, transform_indices = @transform_3, window_bounds = array<i64: 320000>}]} {
    %get3A = arith.constant 0 : index
    %get3A_0 = arith.constant 0 : index
    %get3A_1 = vector.load %arg2[%get3A, %get3A_0] : memref<128x2xf32, #tpu.memory_space<vmem>>, vector<128x2xf32>
    %get3A_2 = arith.constant 0 : index
    %get3A_3 = arith.constant 0 : index
    %get3A_4 = vector.load %arg1[%get3A_2, %get3A_3] : memref<12800x128xf32, #tpu.memory_space<vmem>>, vector<12800x128xf32>
    %dot_general3A = arith.constant dense<0.000000e+00> : vector<2x12800xf32>
    %dot_general3A_5 = tpu.matmul %get3A_1, %get3A_4, %dot_general3A {dimension_numbers = #tpu.dot_dimension_numbers<[0], [1], [1], [0], [0, 1, 1, 0], [], []>, transpose_lhs_hint = false} : vector<128x2xf32>, vector<12800x128xf32>, vector<2x12800xf32> -> vector<2x12800xf32>
    %slice3A = vector.extract_strided_slice %dot_general3A_5 {offsets = [0, 0], sizes = [1, 12800], strides = [1, 1]} : vector<2x12800xf32> to vector<1x12800xf32>
    %squeeze3A = vector.shape_cast %slice3A : vector<1x12800xf32> to vector<12800xf32>
    %mul3A = arith.constant 12800 : i32
    %mul3A_6 = arith.muli %arg0, %mul3A : i32
    %swap3A = arith.index_cast %mul3A_6 : i32 to index
    %swap3A_7 = vector.load %arg3[%swap3A] : memref<320000xf32, #tpu.memory_space<vmem>>, vector<12800xf32>
    tpu.vector_store %arg3[%swap3A], %squeeze3A {strides = array<i32>} : memref<320000xf32, #tpu.memory_space<vmem>>, vector<12800xf32>,
    %slice3A_8 = vector.extract_strided_slice %dot_general3A_5 {offsets = [1, 0], sizes = [1, 12800], strides = [1, 1]} : vector<2x12800xf32> to vector<1x12800xf32>
    %squeeze3A_9 = vector.shape_cast %slice3A_8 : vector<1x12800xf32> to vector<12800xf32>
    %mul3A_10 = arith.constant 12800 : i32
    %mul3A_11 = arith.muli %arg0, %mul3A_10 : i32
    %swap3A_12 = arith.index_cast %mul3A_11 : i32 to index
    %swap3A_13 = vector.load %arg4[%swap3A_12] : memref<320000xf32, #tpu.memory_space<vmem>>, vector<12800xf32>
    tpu.vector_store %arg4[%swap3A_12], %squeeze3A_9 {strides = array<i32>} : memref<320000xf32, #tpu.memory_space<vmem>>, vector<12800xf32>,
    return
  }
  func.func @transform_0(%arg0: i32) -> (i32, i32) {
    %add3A = arith.constant 0 : i32
    %add3A_0 = arith.addi %arg0, %add3A : i32
    %c0_i32 = arith.constant 0 : i32
    %c0_i32_1 = arith.constant 0 : i32
    return %add3A_0, %c0_i32 : i32, i32
  }
  func.func @transform_1(%arg0: i32) -> (i32, i32) {
    %c0_i32 = arith.constant 0 : i32
    %c0_i32_0 = arith.constant 0 : i32
    %c0_i32_1 = arith.constant 0 : i32
    return %c0_i32, %c0_i32_0 : i32, i32
  }
  func.func @transform_2(%arg0: i32) -> i32 {
    %c0_i32 = arith.constant 0 : i32
    %c0_i32_0 = arith.constant 0 : i32
    return %c0_i32 : i32
  }
  func.func @transform_3(%arg0: i32) -> i32 {
    %c0_i32 = arith.constant 0 : i32
    %c0_i32_0 = arith.constant 0 : i32
    return %c0_i32 : i32
  }
}

</mosaic_0001>

<sc_bundles>
// kernel: kernel.6.cloned.1.call-start
scs
__scs_entry_jumppad:
0x0: {  	(pc) =	sbr.rel $0x88, $3  }
0x1: {  	(tag) =	ssettag $0x0;
	lr =	simm.s32 $0x1  }
0x2: {  	[smem:$0x3F97] =	sst lr;
	_ =	strace $0xD0000000  }
0x3: {  	_ = 	snop  }
0x4: {  	_ = 	snop  }
0x5: {  	_ = 	snop  }
0x6: {  	_ = 	snop  }
0x7: {  	_ = 	snop  }
__scs_overlays_trampoline_lowered:
0x8: {  	[smem:$0x3FA6] =	sst s0  }
0x9: {  	[smem:$0x3FA7] =	sst s1  }
0xa: {  	[smem:$0x3FA8] =	sst s2  }
0xb: {  	[smem:$0x3FA9] =	sst s3  }
0xc: {  	[smem:$0x3FAA] =	sst s4  }
0xd: {  	[smem:$0x3FAB] =	sst s5  }
0xe: {  	[smem:$0x3FAC] =	sst s6  }
0xf: {  	[smem:$0x3FAD] =	sst s7  }
0x10: {  	[smem:$0x3FAE] =	sst s8  }
0x11: {  	[smem:$0x3FAF] =	sst s9;
	s0 =	simm.s32 @!p0 $0x0  }
0x12: {  	s1 =	sld [smem:$0x3F95];
	s0 =	simm.s32 @p0 $0x1  }
0x13: {  	[smem:$0x3FB0] =	sst s0;
	s0 =	simm.s32 @!p1 $0x0  }
0x14: {  	s2 =	sld [smem:$0x3F94];
	s0 =	simm.s32 @p1 $0x1  }
0x15: {  	[smem:$0x3FB1] =	sst s0;
	s0 =	simm.s32 @!p2 $0x0  }
0x16: {  	s3 =	sld [smem:$0x3FDB];
	s0 =	simm.s32 @p2 $0x1  }
0x17: {  	s4 =	simm.s32 $0x1BF5;
	[smem:$0x3FB3] =	sst s0  }
0x18: {  	s0 =	sld [smem:$0x3F96];
	_ =	swait.ge [sflag:s4], $0x0  }
0x19: {  	s7 =	sld [smem:$0x3F97]  }
0x1a: {  	s8 =	sadd.s32 $0xFFFFE003, lr  }
0x1b: {  	s9 =	sadd.s32 $0xFFFFFEF7, lr;
	s5 =	simm.s32 $0xFFFFFFFF;
	p2 =	slt.u32 s8, $0xFFFFF086  }
0x1c: {  	p1 =	slt.u32 s9, $0xF7A;
	s5 =	simm.s32 @!p2 $0x0  }
0x1d: {  	s5 =	simm.s32 @p1 $0x1;
	p0 =	seq.s32 s7, s2  }
0x1e: {  	s7 =	smul.u32 @!p0 $0xF7A, s2;
	p2 =	seq.s32 @!p0 s5, $0x0  }
0x1f: {  	s9 =	smul.u32 $0xF7A, s1;
	s8 =	simm.s32 @!p0 $0x1BF5;
	p2 =	por !p2, p0  }
0x20: {  	[sflag:s8] =	ssyncset.s32 @!p0 $0xFFFFF086;
	s6 =	sadd.s32 @!p0 s3, s7;
	s7 =	simm.s32 @!p0 $0x108  }
0x21: {  	s3 =	sadd.s32 s3, s9;
	s6 =	sadd.s32 @!p0 $0x88, s6;
	s7 =	simm.s32 @p2 $0x1082  }
0x22: {  	[simem:s7], [sflag:s8] =	dma.local @!p0 [hbm:s6], $0xF7A  }
0x23: {  	s9 =	sor.u32 $0xD0000000, s2;
	s6 =	simm.s32 $0x108;
	_ =	swait.ge @!p0 [sflag:s8], $0x0  }
0x24: {  	s3 =	sadd.s32 $0x88, s3;
	s6 =	simm.s32 @!p1 $0x1082;
	[sflag:s4] =	ssyncset.s32 $0xFFFFF086  }
0x25: {  	[simem:s6], [sflag:s4] =	dma.local [hbm:s3], $0xF7A  }
0x26: {  	[smem:$0x3F97] =	sst s1;
	(tag) =	ssettag s2;
	_ =	strace s9  }
0x27: {  	s1 =	sld [smem:$0x3FA7]  }
0x28: {  	s2 =	sld [smem:$0x3FA8]  }
0x29: {  	s4 =	sld [smem:$0x3FAA]  }
0x2a: {  	p0 =	seq.s32 s5, $0x0;
	s5 =	sld [smem:$0x3FAB]  }
0x2b: {  	s6 =	sld [smem:$0x3FAC]  }
0x2c: {  	s7 =	sld [smem:$0x3FAD]  }
0x2d: {  	s3 =	simm.s32 $0x108;
	s8 =	sld [smem:$0x3FAE]  }
0x2e: {  	s3 =	simm.s32 @!p0 $0x1082;
	s9 =	sld [smem:$0x3FAF]  }
0x2f: {  	lr =	sadd.s32 s0, s3;
	s0 =	sld [smem:$0x3FA6]  }
0x30: {  	s3 =	sld [smem:$0x3FA9]  }
0x31: {  	[smem:$0x3FB2] =	sst s10  }
0x32: {  	s10 =	sld [smem:$0x3FB0];
	_ =	sdelay $0x3  }
0x33: {  	p0 =	seq.s32 s10, $0x1;
	s10 =	sld [smem:$0x3FB2];
	_ =	sdelay $0x3  }
0x34: {  	[smem:$0x3FB2] =	sst s10  }
0x35: {  	s10 =	sld [smem:$0x3FB1];
	_ =	sdelay $0x3  }
0x36: {  	p1 =	seq.s32 s10, $0x1;
	s10 =	sld [smem:$0x3FB2];
	_ =	sdelay $0x3  }
0x37: {  	[smem:$0x3FB2] =	sst s10  }
0x38: {  	s10 =	sld [smem:$0x3FB3]  }
0x39: {  	_ = 	snop;
	(pc) =	sbr.ind lr, $3  }
0x3a: {  	_ = 	snop  }
0x3b: {  	_ = 	snop  }
0x3c: {  	p2 =	seq.s32 s10, $0x1;
	s10 =	sld [smem:$0x3FB2]  }
0x3d: {  	_ =	shalt  }
0x3e: {  	_ =	shalt  }
0x3f: {  	_ =	shalt  }
0x40: {  	_ =	shalt  }
0x41: {  	_ =	shalt  }
0x42: {  	_ =	shalt  }
0x43: {  	_ =	shalt  }
0x44: {  	_ =	shalt  }
0x45: {  	_ =	shalt  }
0x46: {  	_ =	shalt  }
0x47: {  	_ =	shalt  }
0x48: {  	_ =	shalt  }
0x49: {  	_ =	shalt  }
0x4a: {  	_ =	shalt  }
0x4b: {  	_ =	shalt  }
0x4c: {  	_ =	shalt  }
0x4d: {  	_ =	shalt  }
0x4e: {  	_ =	shalt  }
0x4f: {  	_ =	shalt  }
0x50: {  	_ =	shalt  }
0x51: {  	_ =	shalt  }
0x52: {  	_ =	shalt  }
0x53: {  	_ =	shalt  }
0x54: {  	_ =	shalt  }
0x55: {  	_ =	shalt  }
0x56: {  	_ =	shalt  }
0x57: {  	_ =	shalt  }
0x58: {  	_ =	shalt  }
0x59: {  	_ =	shalt  }
0x5a: {  	_ =	shalt  }
0x5b: {  	_ =	shalt  }
0x5c: {  	_ =	shalt  }
0x5d: {  	_ =	shalt  }
0x5e: {  	_ =	shalt  }
0x5f: {  	_ =	shalt  }
0x60: {  	_ =	shalt  }
0x61: {  	_ =	shalt  }
0x62: {  	_ =	shalt  }
0x63: {  	_ =	shalt  }
0x64: {  	_ =	shalt  }
0x65: {  	_ =	shalt  }
0x66: {  	_ =	shalt  }
0x67: {  	_ =	shalt  }
0x68: {  	_ =	shalt  }
0x69: {  	_ =	shalt  }
0x6a: {  	_ =	shalt  }
0x6b: {  	_ =	shalt  }
0x6c: {  	_ =	shalt  }
0x6d: {  	_ =	shalt  }
0x6e: {  	_ =	shalt  }
0x6f: {  	_ =	shalt  }
0x70: {  	_ =	shalt  }
0x71: {  	_ =	shalt  }
0x72: {  	_ =	shalt  }
0x73: {  	_ =	shalt  }
0x74: {  	_ =	shalt  }
0x75: {  	_ =	shalt  }
0x76: {  	_ =	shalt  }
0x77: {  	_ =	shalt  }
0x78: {  	_ =	shalt  }
0x79: {  	_ =	shalt  }
0x7a: {  	_ =	shalt  }
0x7b: {  	_ =	shalt  }
0x7c: {  	_ =	shalt  }
0x7d: {  	_ =	shalt  }
0x7e: {  	_ =	shalt  }
0x7f: {  	_ =	shalt  }
0x80: {  	_ =	shalt  }
0x81: {  	_ =	shalt  }
0x82: {  	_ =	shalt  }
0x83: {  	_ =	shalt  }
0x84: {  	_ =	shalt  }
0x85: {  	_ =	shalt  }
0x86: {  	_ =	shalt  }
0x87: {  	_ =	shalt  }
.Lfunc_end0:
.L_simem_size_0:
called_computation_lowered:
.L_overlay_start_0:
0x88: {  	s2 =	sld [smem:$0x3FD9]  }
0x89: {  	s3 =	sld [smem:$0x3FFE];
	_ =	sdelay $0x1  }
0x8a: {  	s1 =	srdreg.scid  }
0x8b: {  	s0 =	sand.u32 $0x1, s1  }
0x8c: {  	s17 =	sshll.u32 s0, $0xA;
	s2 =	sadd.s32 s3, s2  }
0x8d: {  	s2 =	sadd.s32 s2, s17  }
0x8e: {  	[smem:$0x3FBE] =	sst s2  }
0x8f: {  	_ = 	snop  }
0x90: {  	s2 =	sld [smem:$0x3FC7]  }
0x91: {  	s18 =	sld [smem:$0x3FD0];
	(tm) =	ssettm $0x1  }
0x92: {  	s4 =	sld [smem:$0x3FFB];
	_ =	sdelay $0x3  }
0x93: {  	_ =	strace s4  }
0x94: {  	s4 =	sld [smem:$0x3FFC];
	_ =	sdelay $0x3  }
0x95: {  	_ =	strace s4  }
0x96: {  	s4 =	sld [smem:$0x3FFD];
	_ =	sdelay $0x3  }
0x97: {  	_ =	strace s4  }
0x98: {  	_ =	strace $0x8FFFFFFF  }
0x99: {  	s19 =	sld [smem:$0x3FDB];
	_ =	sdelay $0x1  }
0x9a: {  	s5 =	simm.s32 $_scs_section_size  }
0x9b: {  	s6 =	simm.s32 $_size__tile_overlayer_lowered;
	s7 =	simm.s32 $_tile_overlayer_lowered  }
0x9c: {  	s22 =	simm.s32 $0x1BFF;
	s21 =	sshll.u32 s7, $0x1;
	s4 =	sadd.s32 s5, s19  }
0x9d: {  	s8 =	simm.s32 $0x0;
	s20 =	sshll.u32 s6, $0x1;
	s6 =	sadd.s32 s21, s4  }
0x9e: {  	[timem:s8], [sflag:s22] =	dma.local [hbm:s6], s20  }
0x9f: {  	_ =	swait.ge [sflag:s22], s20  }
0xa0: {  	s5 =	ssub.s32 $0x0, s20;
	[sflag:s22] =	ssyncset.done $0x0  }
0xa1: {  	[sflag:s22] =	ssyncadd.s32 s5;
	_ =	sdelay $0x1  }
0xa2: {  	s23 =	simm.s32 $0x1B8B  }
0xa3: {  	_ =	swait.ge [sflag:s23], $0x1  }
0xa4: {  	[sflag:s23] =	ssyncset.done $0x0  }
0xa5: {  	s25 =	simm.s32 $0x1B8E;
	s24 =	sld [smem:$0x3FFE];
	[sflag:s23] =	ssyncadd.s32 $0xFFFFFFFF  }
0xa6: {  	s26 =	simm.s32 $execute0_lowered;
	[smem:$0x3FD2] =	sst s25  }
0xa7: {  	s6 =	sshll.u32 s26, $0x1;
	_ =	strace $0x80000046;
	[dreg:$0x1] =	wrdreg $0xFFFFFFFF  }
0xa8: {  	s28 =	simm.s32 $_size_execute0_lowered;
	s4 =	sadd.s32 s4, s6;
	[dreg:$0x0] =	wrdreg $0x0  }
0xa9: {  	s6 =	sshll.u32 s28, $0x1;
	[dreg:$0x2] =	wrdreg s4  }
0xaa: {  	[dreg:$0x3] =	wrdreg s6  }
0xab: {  	[dreg:$0x4] =	wrdreg $0xC0  }
0xac: {  	_ =	task [dreg:s8], $0x5FFFF  }
0xad: {  	[dreg:$0x1] =	wrdreg $0xFFFFFFFF  }
0xae: {  	[dreg:$0x0] =	wrdreg $0x60  }
0xaf: {  	[dreg:$0x2] =	wrdreg s18  }
0xb0: {  	[dreg:$0x3] =	wrdreg s24  }
0xb1: {  	[dreg:$0x4] =	wrdreg s2  }
0xb2: {  	[dreg:$0x5] =	wrdreg $0x9  }
0xb3: {  	_ =	task.clear_ibuf [dreg:s8], $0x6FFFF;
	_ =	strace $0x90000046  }
0xb4: {  	s29 =	simm.s32 $0x9;
	_ =	strace $0x80000048  }
0xb5: {  	_ =	swait.ge [sflag:s29], $0x1  }
0xb6: {  	[sflag:s29] =	ssyncadd.s32 $0xFFFFFFFF  }
0xb7: {  	_ =	strace $0x90000048  }
0xb8: {  	_ =	sfence  }
0xb9: {  	s30 =	sld [smem:$0x0];
	_ =	sdelay $0x2  }
0xba: {  	s31 =	sshll.u32 s1, $0xD;
	s1 =	sshrl.u32 s1, $0x2  }
0xbb: {  	s3 =	sand.u32 $0x4000, s31;
	s1 =	sadd.s32 s1, s30  }
0xbc: {  	s0 =	sor.u32 s3, s0;
	s1 =	sshll.u32 s1, $0x11  }
0xbd: {  	s0 =	sor.u32 s1, s0  }
0xbe: {  	s0 =	sadd.s32 $0x8F2B, s0  }
0xbf: {  	[sflag:s0] =	ssyncadd.remote.s32 $0x1  }
0xc0: {  	_ =	sfence.sel $0xFFFF  }
0xc1: {  	[dreg:$0x0] =	wrdreg $0xFFFFFFFF;
	(pc) =	sbr.abs _section_cstart, $3  }
0xc2: {  	[dreg:$0x1] =	wrdreg $0xFFFFFFFF  }
0xc3: {  	_ =	task.clear_ibuf [dreg:s8], $0x2FFFF;
	_ =	strace $0x9FFFFFFF  }
0xc4: {  	(tm) =	ssettm $0x7FFFFFFF  }
0xc5: {  	_ =	shalt  }
tec
execute0_lowered:
.L_overlay_start_1:
0x0: {  	(tag) =	ssettag $0x1  }
0x1: {  	s6 =	rddreg [dreg:$0x0]  }
0x2: {  	s7 =	rddreg [dreg:$0x1]  }
0x3: {  	s8 =	rddreg [dreg:$0x2]  }
0x4: {  	s0 =	rddreg [dreg:$0x3];
	s3 =	srdreg.scid  }
0x5: {  	s1 =	stileid.u32;
	s2 =	simm.s32 $0x0;
	s15 =	simm.s32 $0xE200  }
0x6: {  	s16 =	simm.s32 $0xE600;
	s17 =	simm.s32 $0x1;
	s18 =	simm.s32 $0x7680  }
0x7: {  	s19 =	simm.s32 $0x2;
	s20 =	simm.s32 $0x80;
	s21 =	simm.s32 $0x400  }
0x8: {  	s22 =	simm.s32 $0xEA00;
	s23 =	simm.s32 $0x0;
	s9 =	sand.u32 $0x1, s3  }
0x9: {  	s29 =	sshll.u32 s1, $0x1;
	[smem:$0x7FF] =	sst s2;
	s3 =	sadd.s32 $0xCE00, s7  }
0xa: {  	s4 =	sadd.s32 $0xCC00, s7;
	s5 =	sadd.s32 $0xCA00, s7;
	s12 =	sshll.u32 s1, $0x8  }
0xb: {  	s10 =	sor.u32 s9, s29;
	_ =	strace $0x80000047;
	s9 =	ssub.s32 $0x2, s9  }
0xc: {  	s12 =	sand.u32 $0xC00, s12;
	s11 =	smul.u32 $0x4E2, s10;
	s30 =	sshrl.u32 s9, $0x1  }
0xd: {  	s12 =	sadd.s32 s12, s7;
	s10 =	sshll.u32 s10, $0x4;
	s14 =	ssub.s32 s9, s30  }
0xe: {  	s31 =	sand.u32 $0x70, s10;
	s13 =	sadd.s32 s11, s7;
	s6 =	sadd.s32 s6, s11  }
0xf: {  	s8 =	sadd.s32 s8, s11;
	s10 =	sadd.s32 s31, s12;
	s11 =	smax.u32 s14, $0x1  }
0x10: {  	v1 =	vlaneseq.u32;
	s12 =	simm.s32 $0x2780;
	s14 =	simm.s32 $0xDE00;
	s7 =	sadd.s32 $0x2C00, s13  }
0x11: {  	v0 =	vimm.f32 $0.0e+00;
	v1 =	vmul.u32 $0x400, v1;
	s9 =	sadd.s32 $0xD400, s13;
	s10 =	sadd.s32 $0x17200, s10;
	s13 =	simm.s32 $0x4F00  }
.LBB2_1:
0x12: {  	[tilespmem:s2], [sflag:$0x1] =	stream.linear.gather [hbm4b:s6+s2], $0x2710, $0x38;
	[tilespmem:$0xEE00] =	vst v63  }
0x13: {  	_ = 	snop  }
0x14: {  	[tilespmem:s12], [sflag:$0x1] =	stream.linear.gather [hbm4b:s7+s2], $0x2710, $0x38;
	[tilespmem:$0xEE00] =	vst v63  }
0x15: {  	_ = 	snop  }
0x16: {  	[tilespmem:s13], [sflag:$0x1] =	stream.linear.gather [hbm4b:s8+s2], $0x2710, $0x38;
	[tilespmem:$0xEE00] =	vst v63  }
0x17: {  	_ = 	snop  }
0x18: {  	[tilespmem:s14], [sflag:$0x1] =	stream.linear.gather [hbm4b:s3+s2], $0x400, $0x38;
	[tilespmem:$0xEE00] =	vst v63  }
0x19: {  	_ = 	snop  }
0x1a: {  	[tilespmem:s15], [sflag:$0x1] =	stream.linear.gather [hbm4b:s4+s2], $0x400, $0x38;
	[tilespmem:$0xEE00] =	vst v63  }
0x1b: {  	s24 =	simm.s32 $0x40;
	s25 =	simm.s32 $0x0  }
0x1c: {  	[tilespmem:s16], [sflag:$0x1] =	stream.linear.gather [hbm4b:s5+s2], $0x400, $0x38;
	[tilespmem:$0xEE00] =	vst v63  }
.LBB2_2:
0x1d: {  	p0 =	sne.s32 s24, $0xFFC0;
	[tilespmem:s25+$0x9E00] =	vst v0;
	s25 =	smov.u32 s24;
	s24 =	sadd.s32 $0x40, s24  }
.Ltmp0:
0x1e: {  	(pc) =	sbr.rel @p0 .LBB2_2-.Ltmp0, $2  }
0x1f: {  	_ =	sdelay $0x2  }
0x20: {  	s25 =	sshra.s32 s25, $0x2  }
0x21: {  	[tilespmem:s25+$0x9E00] =	vst v0  }
0x22: {  	_ =	swait.ge [sflag:s17], $0x2710  }
0x23: {  	[sflag:s17] =	ssyncset.done $0x0  }
0x24: {  	[sflag:s17] =	ssyncadd.s32 $0xFFFFD8F0  }
0x25: {  	_ =	swait.ge [sflag:s17], $0x2710  }
0x26: {  	[sflag:s17] =	ssyncset.done $0x0  }
0x27: {  	[sflag:s17] =	ssyncadd.s32 $0xFFFFD8F0  }
0x28: {  	_ =	swait.ge [sflag:s17], $0x2710  }
0x29: {  	[sflag:s17] =	ssyncset.done $0x0  }
0x2a: {  	[sflag:s17] =	ssyncadd.s32 $0xFFFFD8F0  }
0x2b: {  	_ =	swait.ge [sflag:s17], $0x400  }
0x2c: {  	[sflag:s17] =	ssyncset.done $0x0  }
0x2d: {  	[sflag:s17] =	ssyncadd.s32 $0xFFFFFC00  }
0x2e: {  	_ =	swait.ge [sflag:s17], $0x400  }
0x2f: {  	[sflag:s17] =	ssyncset.done $0x0  }
0x30: {  	[sflag:s17] =	ssyncadd.s32 $0xFFFFFC00  }
0x31: {  	s24 =	simm.s32 $0x4;
	_ =	swait.ge [sflag:s17], $0x400  }
0x32: {  	s25 =	simm.s32 $0x4F20;
	s26 =	simm.s32 $0x20;
	[sflag:s17] =	ssyncset.done $0x0  }
0x33: {  	s28 =	simm.s32 $0x27A0;
	s29 =	simm.s32 $0x76A0;
	[sflag:s17] =	ssyncadd.s32 $0xFFFFFC00  }
.LBB2_4:
0x34: {  	v2 =	vld [tilespmem:s25+$0xFFFFFFE0];
	_ =	sdelay $0x5  }
0x35: {  	v4 =	vld [tilespmem:s26+$0xFFFFFFE0]  }
0x36: {  	v6 =	vld [tilespmem:s28+$0xFFFFFFE0]  }
0x37: {  	v3 =	vld.idx.msk [tilespmem:v2+s14+$0x0], $0xffff  }
0x38: {  	v5 =	vld.idx.msk [tilespmem:v2+s15+$0x0], $0xffff;
	_ =	sdelay $0x3  }
0x39: {  	v7 =	vld.idx.msk [tilespmem:v2+s16+$0x0], $0xffff  }
0x3a: {  	v3 =	vmul.f32 v4, v3;
	v23 =	vmul.f32 v6, v5;
	_ =	sdelay $0x1  }
0x3b: {  	v3 =	vadd.f32 v23, v3;
	_ =	sdelay $0x1  }
0x3c: {  	v3 =	vadd.f32 v3, v7;
	_ =	sdelay $0x1  }
0x3d: {  	v24 =	vand.u32 $0x7FFFFFFF, v3  }
0x3e: {  	v4 =	vsub.f32 $0.0e+00, v24;
	_ =	sdelay $0x1  }
0x3f: {  	v4 =	vmul.f32 $1.442695020e+00, v4;
	_ =	sdelay $0x1  }
0x40: {  	(erf) = vpow2.f32 v4;
	_ =	sdelay $0x8  }
0x41: {  	v4 =	vpop (erf)  }
0x42: {  	v25 =	vmul.f32 $6.074877460e-03, v4;
	_ =	sdelay $0x1  }
0x43: {  	v5 =	vsub.f32 $3.441859410e-02, v25;
	_ =	sdelay $0x1  }
0x44: {  	v5 =	vmul.f32 v5, v4;
	_ =	sdelay $0x1  }
0x45: {  	v5 =	vadd.f32 $-9.231376640e-02, v5;
	_ =	sdelay $0x1  }
0x46: {  	v5 =	vmul.f32 v5, v4;
	_ =	sdelay $0x1  }
0x47: {  	v5 =	vadd.f32 $1.647834930e-01, v5;
	_ =	sdelay $0x1  }
0x48: {  	v5 =	vmul.f32 v5, v4;
	_ =	sdelay $0x1  }
0x49: {  	v5 =	vadd.f32 $-2.391907130e-01, v5;
	_ =	sdelay $0x1  }
0x4a: {  	v5 =	vmul.f32 v5, v4;
	_ =	sdelay $0x1  }
0x4b: {  	v5 =	vadd.f32 $3.313339950e-01, v5;
	_ =	sdelay $0x1  }
0x4c: {  	v5 =	vmul.f32 v5, v4;
	_ =	sdelay $0x1  }
0x4d: {  	v5 =	vadd.f32 $-4.998011590e-01, v5;
	_ =	sdelay $0x1  }
0x4e: {  	v5 =	vmul.f32 v5, v4  }
0x4f: {  	s30 =	sadd.s32 $0xFFFFFFFC, s24  }
0x50: {  	v26 =	vmov s30;
	v5 =	vadd.f32 $9.999914760e-01, v5  }
0x51: {  	v6 =	vshll.u32 v26, $0xA  }
0x52: {  	v27 =	vadd.s32 v1, v6;
	v4 =	vmul.f32 v5, v4  }
0x53: {  	v5 =	vand.u32 $0x3C00, v27  }
0x54: {  	v2 =	vadd.s32 v5, v2;
	v4 =	vadd.f32 $9.083787940e-08, v4  }
0x55: {  	v3 =	vmax.f32 v3, $0.0e+00  }
0x56: {  	v3 =	vadd.f32 v4, v3;
	_ =	sdelay $0x1  }
0x57: {  	s30 =	simm.s32 $0x9E00;
	[tilespmem:s29+$0xFFFFFFE0] =	vst v3  }
0x58: {  	[tilespmem:v2+s30+$0x0] =	vst.idx.add.f32.msk $0xffff, v3  }
0x59: {  	v2 =	vld [tilespmem:s25+$0xFFFFFFF0];
	_ =	sdelay $0x5  }
0x5a: {  	v28 =	vld [tilespmem:s26+$0xFFFFFFF0]  }
0x5b: {  	v30 =	vld [tilespmem:s28+$0xFFFFFFF0]  }
0x5c: {  	v3 =	vld.idx.msk [tilespmem:v2+s14+$0x0], $0xffff  }
0x5d: {  	v29 =	vld.idx.msk [tilespmem:v2+s15+$0x0], $0xffff;
	_ =	sdelay $0x3  }
0x5e: {  	v31 =	vld.idx.msk [tilespmem:v2+s16+$0x0], $0xffff  }
0x5f: {  	v3 =	vmul.f32 v28, v3;
	v32 =	vmul.f32 v30, v29;
	_ =	sdelay $0x1  }
0x60: {  	v3 =	vadd.f32 v32, v3;
	_ =	sdelay $0x1  }
0x61: {  	v3 =	vadd.f32 v3, v31;
	_ =	sdelay $0x1  }
0x62: {  	v33 =	vand.u32 $0x7FFFFFFF, v3  }
0x63: {  	v4 =	vsub.f32 $0.0e+00, v33;
	_ =	sdelay $0x1  }
0x64: {  	v4 =	vmul.f32 $1.442695020e+00, v4;
	_ =	sdelay $0x1  }
0x65: {  	(erf) = vpow2.f32 v4;
	_ =	sdelay $0x8  }
0x66: {  	v4 =	vpop (erf)  }
0x67: {  	v34 =	vmul.f32 $6.074877460e-03, v4;
	_ =	sdelay $0x1  }
0x68: {  	v5 =	vsub.f32 $3.441859410e-02, v34;
	_ =	sdelay $0x1  }
0x69: {  	v5 =	vmul.f32 v5, v4;
	_ =	sdelay $0x1  }
0x6a: {  	v5 =	vadd.f32 $-9.231376640e-02, v5;
	_ =	sdelay $0x1  }
0x6b: {  	v5 =	vmul.f32 v5, v4;
	_ =	sdelay $0x1  }
0x6c: {  	v5 =	vadd.f32 $1.647834930e-01, v5;
	_ =	sdelay $0x1  }
0x6d: {  	v5 =	vmul.f32 v5, v4;
	_ =	sdelay $0x1  }
0x6e: {  	v5 =	vadd.f32 $-2.391907130e-01, v5;
	_ =	sdelay $0x1  }
0x6f: {  	v5 =	vmul.f32 v5, v4;
	_ =	sdelay $0x1  }
0x70: {  	v5 =	vadd.f32 $3.313339950e-01, v5;
	_ =	sdelay $0x1  }
0x71: {  	v5 =	vmul.f32 v5, v4;
	_ =	sdelay $0x1  }
0x72: {  	v5 =	vadd.f32 $-4.998011590e-01, v5;
	_ =	sdelay $0x1  }
0x73: {  	v5 =	vmul.f32 v5, v4  }
0x74: {  	s31 =	sadd.s32 $0xFFFFFFFD, s24  }
0x75: {  	v35 =	vmov s31;
	v5 =	vadd.f32 $9.999914760e-01, v5  }
0x76: {  	v6 =	vshll.u32 v35, $0xA  }
0x77: {  	v36 =	vadd.s32 v1, v6;
	v4 =	vmul.f32 v5, v4  }
0x78: {  	v5 =	vand.u32 $0x3C00, v36  }
0x79: {  	v2 =	vadd.s32 v5, v2;
	v4 =	vadd.f32 $9.083787940e-08, v4  }
0x7a: {  	v3 =	vmax.f32 v3, $0.0e+00  }
0x7b: {  	v3 =	vadd.f32 v4, v3;
	_ =	sdelay $0x1  }
0x7c: {  	[tilespmem:s29+$0xFFFFFFF0] =	vst v3  }
0x7d: {  	[tilespmem:v2+s30+$0x0] =	vst.idx.add.f32.msk $0xffff, v3  }
0x7e: {  	v2 =	vld [tilespmem:s25+$0x0];
	_ =	sdelay $0x5  }
0x7f: {  	v37 =	vld [tilespmem:s26+$0x0]  }
0x80: {  	v39 =	vld [tilespmem:s28+$0x0]  }
0x81: {  	v3 =	vld.idx.msk [tilespmem:v2+s14+$0x0], $0xffff  }
0x82: {  	v38 =	vld.idx.msk [tilespmem:v2+s15+$0x0], $0xffff;
	_ =	sdelay $0x3  }
0x83: {  	v40 =	vld.idx.msk [tilespmem:v2+s16+$0x0], $0xffff  }
0x84: {  	v3 =	vmul.f32 v37, v3;
	v41 =	vmul.f32 v39, v38;
	_ =	sdelay $0x1  }
0x85: {  	v3 =	vadd.f32 v41, v3;
	_ =	sdelay $0x1  }
0x86: {  	v3 =	vadd.f32 v3, v40;
	_ =	sdelay $0x1  }
0x87: {  	v42 =	vand.u32 $0x7FFFFFFF, v3  }
0x88: {  	v4 =	vsub.f32 $0.0e+00, v42;
	_ =	sdelay $0x1  }
0x89: {  	v4 =	vmul.f32 $1.442695020e+00, v4;
	_ =	sdelay $0x1  }
0x8a: {  	(erf) = vpow2.f32 v4;
	_ =	sdelay $0x8  }
0x8b: {  	v4 =	vpop (erf)  }
0x8c: {  	v43 =	vmul.f32 $6.074877460e-03, v4;
	_ =	sdelay $0x1  }
0x8d: {  	v5 =	vsub.f32 $3.441859410e-02, v43;
	_ =	sdelay $0x1  }
0x8e: {  	v5 =	vmul.f32 v5, v4;
	_ =	sdelay $0x1  }
0x8f: {  	v5 =	vadd.f32 $-9.231376640e-02, v5;
	_ =	sdelay $0x1  }
0x90: {  	v5 =	vmul.f32 v5, v4;
	_ =	sdelay $0x1  }
0x91: {  	v5 =	vadd.f32 $1.647834930e-01, v5;
	_ =	sdelay $0x1  }
0x92: {  	v5 =	vmul.f32 v5, v4;
	_ =	sdelay $0x1  }
0x93: {  	v5 =	vadd.f32 $-2.391907130e-01, v5;
	_ =	sdelay $0x1  }
0x94: {  	v5 =	vmul.f32 v5, v4;
	_ =	sdelay $0x1  }
0x95: {  	v5 =	vadd.f32 $3.313339950e-01, v5;
	_ =	sdelay $0x1  }
0x96: {  	v5 =	vmul.f32 v5, v4;
	_ =	sdelay $0x1  }
0x97: {  	v5 =	vadd.f32 $-4.998011590e-01, v5;
	_ =	sdelay $0x1  }
0x98: {  	v5 =	vmul.f32 v5, v4  }
0x99: {  	s31 =	sadd.s32 $0xFFFFFFFE, s24  }
0x9a: {  	v44 =	vmov s31;
	v5 =	vadd.f32 $9.999914760e-01, v5  }
0x9b: {  	v6 =	vshll.u32 v44, $0xA  }
0x9c: {  	v45 =	vadd.s32 v1, v6;
	v4 =	vmul.f32 v5, v4  }
0x9d: {  	v5 =	vand.u32 $0x3C00, v45  }
0x9e: {  	v2 =	vadd.s32 v5, v2;
	v4 =	vadd.f32 $9.083787940e-08, v4  }
0x9f: {  	v3 =	vmax.f32 v3, $0.0e+00  }
0xa0: {  	v3 =	vadd.f32 v4, v3;
	_ =	sdelay $0x1  }
0xa1: {  	[tilespmem:s29+$0x0] =	vst v3  }
0xa2: {  	[tilespmem:v2+s30+$0x0] =	vst.idx.add.f32.msk $0xffff, v3  }
0xa3: {  	v2 =	vld [tilespmem:s25+$0x10];
	_ =	sdelay $0x5  }
0xa4: {  	v46 =	vld [tilespmem:s26+$0x10]  }
0xa5: {  	v48 =	vld [tilespmem:s28+$0x10]  }
0xa6: {  	v3 =	vld.idx.msk [tilespmem:v2+s14+$0x0], $0xffff  }
0xa7: {  	v47 =	vld.idx.msk [tilespmem:v2+s15+$0x0], $0xffff;
	_ =	sdelay $0x3  }
0xa8: {  	v49 =	vld.idx.msk [tilespmem:v2+s16+$0x0], $0xffff  }
0xa9: {  	v3 =	vmul.f32 v46, v3;
	v50 =	vmul.f32 v48, v47;
	_ =	sdelay $0x1  }
0xaa: {  	v3 =	vadd.f32 v50, v3;
	_ =	sdelay $0x1  }
0xab: {  	v3 =	vadd.f32 v3, v49;
	_ =	sdelay $0x1  }
0xac: {  	v51 =	vand.u32 $0x7FFFFFFF, v3  }
0xad: {  	v4 =	vsub.f32 $0.0e+00, v51;
	_ =	sdelay $0x1  }
0xae: {  	v4 =	vmul.f32 $1.442695020e+00, v4;
	_ =	sdelay $0x1  }
0xaf: {  	(erf) = vpow2.f32 v4;
	_ =	sdelay $0x8  }
0xb0: {  	v4 =	vpop (erf)  }
0xb1: {  	v52 =	vmul.f32 $6.074877460e-03, v4;
	_ =	sdelay $0x1  }
0xb2: {  	v5 =	vsub.f32 $3.441859410e-02, v52;
	_ =	sdelay $0x1  }
0xb3: {  	v5 =	vmul.f32 v5, v4;
	_ =	sdelay $0x1  }
0xb4: {  	v5 =	vadd.f32 $-9.231376640e-02, v5;
	_ =	sdelay $0x1  }
0xb5: {  	v5 =	vmul.f32 v5, v4;
	_ =	sdelay $0x1  }
0xb6: {  	v5 =	vadd.f32 $1.647834930e-01, v5;
	_ =	sdelay $0x1  }
0xb7: {  	v5 =	vmul.f32 v5, v4;
	_ =	sdelay $0x1  }
0xb8: {  	v5 =	vadd.f32 $-2.391907130e-01, v5;
	_ =	sdelay $0x1  }
0xb9: {  	v5 =	vmul.f32 v5, v4;
	_ =	sdelay $0x1  }
0xba: {  	v5 =	vadd.f32 $3.313339950e-01, v5;
	_ =	sdelay $0x1  }
0xbb: {  	v5 =	vmul.f32 v5, v4;
	_ =	sdelay $0x1  }
0xbc: {  	v5 =	vadd.f32 $-4.998011590e-01, v5;
	_ =	sdelay $0x1  }
0xbd: {  	v5 =	vmul.f32 v5, v4  }
0xbe: {  	s31 =	sadd.s32 $0xFFFFFFFF, s24  }
0xbf: {  	v53 =	vmov s31;
	v5 =	vadd.f32 $9.999914760e-01, v5  }
0xc0: {  	v6 =	vshll.u32 v53, $0xA  }
0xc1: {  	v54 =	vadd.s32 v1, v6;
	v4 =	vmul.f32 v5, v4  }
0xc2: {  	v5 =	vand.u32 $0x3C00, v54  }
0xc3: {  	v2 =	vadd.s32 v5, v2;
	v4 =	vadd.f32 $9.083787940e-08, v4  }
0xc4: {  	v3 =	vmax.f32 v3, $0.0e+00  }
0xc5: {  	v3 =	vadd.f32 v4, v3;
	_ =	sdelay $0x1  }
0xc6: {  	[tilespmem:s29+$0x10] =	vst v3  }
0xc7: {  	[tilespmem:v2+s30+$0x0] =	vst.idx.add.f32.msk $0xffff, v3  }
0xc8: {  	v2 =	vld [tilespmem:s25+$0x20];
	_ =	sdelay $0x5  }
0xc9: {  	v55 =	vld [tilespmem:s26+$0x20]  }
0xca: {  	v57 =	vld [tilespmem:s28+$0x20]  }
0xcb: {  	v3 =	vld.idx.msk [tilespmem:v2+s14+$0x0], $0xffff  }
0xcc: {  	v56 =	vld.idx.msk [tilespmem:v2+s15+$0x0], $0xffff;
	_ =	sdelay $0x3  }
0xcd: {  	v58 =	vld.idx.msk [tilespmem:v2+s16+$0x0], $0xffff  }
0xce: {  	v3 =	vmul.f32 v55, v3;
	v59 =	vmul.f32 v57, v56;
	_ =	sdelay $0x1  }
0xcf: {  	v3 =	vadd.f32 v59, v3;
	_ =	sdelay $0x1  }
0xd0: {  	v3 =	vadd.f32 v3, v58;
	_ =	sdelay $0x1  }
0xd1: {  	v60 =	vand.u32 $0x7FFFFFFF, v3  }
0xd2: {  	v4 =	vsub.f32 $0.0e+00, v60;
	_ =	sdelay $0x1  }
0xd3: {  	v4 =	vmul.f32 $1.442695020e+00, v4;
	_ =	sdelay $0x1  }
0xd4: {  	(erf) = vpow2.f32 v4;
	_ =	sdelay $0x8  }
0xd5: {  	v4 =	vpop (erf)  }
0xd6: {  	v61 =	vmul.f32 $6.074877460e-03, v4;
	_ =	sdelay $0x1  }
0xd7: {  	v5 =	vsub.f32 $3.441859410e-02, v61;
	_ =	sdelay $0x1  }
0xd8: {  	v5 =	vmul.f32 v5, v4;
	_ =	sdelay $0x1  }
0xd9: {  	v5 =	vadd.f32 $-9.231376640e-02, v5;
	_ =	sdelay $0x1  }
0xda: {  	v5 =	vmul.f32 v5, v4;
	_ =	sdelay $0x1  }
0xdb: {  	v5 =	vadd.f32 $1.647834930e-01, v5;
	_ =	sdelay $0x1  }
0xdc: {  	v5 =	vmul.f32 v5, v4;
	_ =	sdelay $0x1  }
0xdd: {  	v5 =	vadd.f32 $-2.391907130e-01, v5;
	_ =	sdelay $0x1  }
0xde: {  	v5 =	vmul.f32 v5, v4;
	_ =	sdelay $0x1  }
0xdf: {  	v5 =	vadd.f32 $3.313339950e-01, v5;
	_ =	sdelay $0x1  }
0xe0: {  	v5 =	vmul.f32 v5, v4;
	_ =	sdelay $0x1  }
0xe1: {  	v5 =	vadd.f32 $-4.998011590e-01, v5;
	_ =	sdelay $0x1  }
0xe2: {  	v5 =	vmul.f32 v5, v4;
	_ =	sdelay $0x1  }
0xe3: {  	v62 =	vmov s24;
	v5 =	vadd.f32 $9.999914760e-01, v5  }
0xe4: {  	v6 =	vshll.u32 v62, $0xA  }
0xe5: {  	v63 =	vadd.s32 v1, v6;
	v4 =	vmul.f32 v5, v4  }
0xe6: {  	v5 =	vand.u32 $0x3C00, v63  }
0xe7: {  	p0 =	sne.s32 s24, $0x270;
	v2 =	vadd.s32 v5, v2;
	v4 =	vadd.f32 $9.083787940e-08, v4  }
.Ltmp1:
0xe8: {  	v3 =	vmax.f32 v3, $0.0e+00;
	(pc) =	sbr.rel @p0 .LBB2_4-.Ltmp1, $3  }
0xe9: {  	v3 =	vadd.f32 v4, v3;
	_ =	sdelay $0x1  }
0xea: {  	s24 =	sadd.s32 $0x5, s24;
	s25 =	sadd.s32 $0x50, s25;
	[tilespmem:s29+$0x20] =	vst v3  }
0xeb: {  	s26 =	sadd.s32 $0x50, s26;
	s28 =	sadd.s32 $0x50, s28;
	s29 =	sadd.s32 $0x50, s29;
	[tilespmem:v2+s30+$0x0] =	vst.idx.add.f32.msk $0xffff, v3  }
0xec: {  	s24 =	simm.s32 $0x0;
	v2 =	vld [tilespmem:s30+$0x0]  }
0xed: {  	s24 =	sand.u32 $0x3F0, s24  }
0xee: {  	v3 =	vld [tilespmem:s24+$0xA200];
	_ =	sdelay $0x1  }
0xef: {  	v4 =	vld [tilespmem:s24+$0xA600]  }
0xf0: {  	v2 =	vadd.f32 $0.0e+00, v2  }
0xf1: {  	v5 =	vld [tilespmem:s24+$0xAA00]  }
0xf2: {  	v2 =	vadd.f32 v3, v2  }
0xf3: {  	v3 =	vld [tilespmem:s24+$0xAE00]  }
0xf4: {  	v2 =	vadd.f32 v4, v2  }
0xf5: {  	v56 =	vld [tilespmem:s24+$0xB200]  }
0xf6: {  	v2 =	vadd.f32 v5, v2  }
0xf7: {  	v57 =	vld [tilespmem:s24+$0xB600]  }
0xf8: {  	v2 =	vadd.f32 v3, v2  }
0xf9: {  	v3 =	vld [tilespmem:s24+$0xBA00]  }
0xfa: {  	v2 =	vadd.f32 v56, v2  }
0xfb: {  	v58 =	vld [tilespmem:s24+$0xBE00]  }
0xfc: {  	v2 =	vadd.f32 v57, v2  }
0xfd: {  	v59 =	vld [tilespmem:s24+$0xC200]  }
0xfe: {  	v2 =	vadd.f32 v3, v2  }
0xff: {  	v3 =	vld [tilespmem:s24+$0xC600]  }
0x100: {  	v2 =	vadd.f32 v58, v2  }
0x101: {  	v60 =	vld [tilespmem:s24+$0xCA00]  }
0x102: {  	v2 =	vadd.f32 v59, v2  }
0x103: {  	v61 =	vld [tilespmem:s24+$0xCE00]  }
0x104: {  	v2 =	vadd.f32 v3, v2  }
0x105: {  	v3 =	vld [tilespmem:s24+$0xD200]  }
0x106: {  	v2 =	vadd.f32 v60, v2  }
0x107: {  	v62 =	vld [tilespmem:s24+$0xD600]  }
0x108: {  	v2 =	vadd.f32 v61, v2  }
0x109: {  	v63 =	vld [tilespmem:s24+$0xDA00]  }
0x10a: {  	v2 =	vadd.f32 v3, v2;
	_ =	sdelay $0x1  }
0x10b: {  	v2 =	vadd.f32 v62, v2;
	_ =	sdelay $0x1  }
0x10c: {  	v2 =	vadd.f32 v63, v2  }
0x10d: {  	s24 =	simm.s32 $0xEA00  }
0x10e: {  	s25 =	simm.s32 $0x9E10;
	[tilespmem:s24+$0x0] =	vst v2  }
0x10f: {  	s26 =	simm.s32 $0x10;
	s28 =	simm.s32 $0x20;
	v2 =	vld [tilespmem:s25+$0x0]  }
.LBB2_6:
0x110: {  	p0 =	sne.s32 s28, $0x3F0;
	s29 =	sand.u32 $0x3F0, s26;
	s26 =	smov.u32 s28  }
0x111: {  	v3 =	vld [tilespmem:s29+$0xA200];
	_ =	sdelay $0x1  }
0x112: {  	v4 =	vld [tilespmem:s29+$0xA600]  }
0x113: {  	v2 =	vadd.f32 $0.0e+00, v2  }
0x114: {  	v5 =	vld [tilespmem:s29+$0xAA00]  }
0x115: {  	v2 =	vadd.f32 v3, v2  }
0x116: {  	v3 =	vld [tilespmem:s29+$0xAE00]  }
0x117: {  	v2 =	vadd.f32 v4, v2  }
0x118: {  	v4 =	vld [tilespmem:s29+$0xB200]  }
0x119: {  	v2 =	vadd.f32 v5, v2  }
0x11a: {  	v5 =	vld [tilespmem:s29+$0xB600]  }
0x11b: {  	v2 =	vadd.f32 v3, v2  }
0x11c: {  	v3 =	vld [tilespmem:s29+$0xBA00]  }
0x11d: {  	v2 =	vadd.f32 v4, v2  }
0x11e: {  	v4 =	vld [tilespmem:s29+$0xBE00]  }
0x11f: {  	v2 =	vadd.f32 v5, v2  }
0x120: {  	v5 =	vld [tilespmem:s29+$0xC200]  }
0x121: {  	v2 =	vadd.f32 v3, v2  }
0x122: {  	v3 =	vld [tilespmem:s29+$0xC600]  }
0x123: {  	v2 =	vadd.f32 v4, v2  }
0x124: {  	v4 =	vld [tilespmem:s29+$0xCA00]  }
0x125: {  	v2 =	vadd.f32 v5, v2  }
0x126: {  	v5 =	vld [tilespmem:s29+$0xCE00]  }
0x127: {  	v2 =	vadd.f32 v3, v2  }
0x128: {  	v3 =	vld [tilespmem:s29+$0xD200]  }
0x129: {  	v2 =	vadd.f32 v4, v2  }
0x12a: {  	v4 =	vld [tilespmem:s29+$0xD600]  }
0x12b: {  	v2 =	vadd.f32 v5, v2  }
0x12c: {  	v5 =	vld [tilespmem:s29+$0xDA00]  }
0x12d: {  	v2 =	vadd.f32 v3, v2;
	_ =	sdelay $0x1  }
0x12e: {  	v2 =	vadd.f32 v4, v2  }
.Ltmp2:
0x12f: {  	(pc) =	sbr.rel @p0 .LBB2_6-.Ltmp2, $4  }
0x130: {  	v2 =	vadd.f32 v5, v2  }
0x131: {  	s24 =	sadd.s32 $0x10, s24  }
0x132: {  	s25 =	sadd.s32 $0x10, s25;
	[tilespmem:s24+$0x0] =	vst v2  }
0x133: {  	s28 =	sadd.s32 $0x10, s28;
	v2 =	vld [tilespmem:s25+$0x0]  }
0x134: {  	s25 =	sand.u32 $0x3F0, s26  }
0x135: {  	v3 =	vld [tilespmem:s25+$0xA200];
	_ =	sdelay $0x1  }
0x136: {  	v4 =	vld [tilespmem:s25+$0xA600]  }
0x137: {  	v2 =	vadd.f32 $0.0e+00, v2  }
0x138: {  	v5 =	vld [tilespmem:s25+$0xAA00]  }
0x139: {  	v2 =	vadd.f32 v3, v2  }
0x13a: {  	v3 =	vld [tilespmem:s25+$0xAE00]  }
0x13b: {  	v2 =	vadd.f32 v4, v2  }
0x13c: {  	v56 =	vld [tilespmem:s25+$0xB200]  }
0x13d: {  	v2 =	vadd.f32 v5, v2  }
0x13e: {  	v57 =	vld [tilespmem:s25+$0xB600]  }
0x13f: {  	v2 =	vadd.f32 v3, v2  }
0x140: {  	v3 =	vld [tilespmem:s25+$0xBA00]  }
0x141: {  	v2 =	vadd.f32 v56, v2  }
0x142: {  	v58 =	vld [tilespmem:s25+$0xBE00]  }
0x143: {  	v2 =	vadd.f32 v57, v2  }
0x144: {  	v59 =	vld [tilespmem:s25+$0xC200]  }
0x145: {  	v2 =	vadd.f32 v3, v2  }
0x146: {  	v3 =	vld [tilespmem:s25+$0xC600]  }
0x147: {  	v2 =	vadd.f32 v58, v2  }
0x148: {  	v60 =	vld [tilespmem:s25+$0xCA00]  }
0x149: {  	v2 =	vadd.f32 v59, v2  }
0x14a: {  	v61 =	vld [tilespmem:s25+$0xCE00]  }
0x14b: {  	v2 =	vadd.f32 v3, v2  }
0x14c: {  	v3 =	vld [tilespmem:s25+$0xD200]  }
0x14d: {  	v2 =	vadd.f32 v60, v2  }
0x14e: {  	v62 =	vld [tilespmem:s25+$0xD600]  }
0x14f: {  	v2 =	vadd.f32 v61, v2  }
0x150: {  	v63 =	vld [tilespmem:s25+$0xDA00]  }
0x151: {  	v2 =	vadd.f32 v3, v2;
	_ =	sdelay $0x1  }
0x152: {  	v2 =	vadd.f32 v62, v2;
	_ =	sdelay $0x1  }
0x153: {  	v2 =	vadd.f32 v63, v2  }
0x154: {  	s24 =	sadd.s32 $0x10, s24  }
0x155: {  	[tilespmem:s24+$0x0] =	vst v2  }
0x156: {  	[hbm4b:s9+s2] =	stream.linear.scatter [tilespmem:s18], [sflag:$0x2], $0x2710, $0x38;
	[tilespmem:$0xEE00] =	vst v63  }
0x157: {  	s23 =	sadd.s32 $0x1, s23;
	_ =	swait.ge [sflag:s19], $0x2710  }
0x158: {  	p0 =	sne.s32 s23, s11;
	[sflag:s19] =	ssyncset.done $0x0  }
.Ltmp3:
0x159: {  	[sflag:s19] =	ssyncadd.s32 $0xFFFFD8F0;
	(pc) =	sbr.rel @p0 .LBB2_1-.Ltmp3, $4  }
0x15a: {  	[hbm4b:s10+s20] =	stream.strided.scatter [tilespmem:s22], [sflag:$0x2], $0x400, s21, s20, $0x38;
	[tilespmem:$0xEE00] =	vst v63  }
0x15b: {  	_ =	swait.ge [sflag:s19], $0x400  }
0x15c: {  	[sflag:s19] =	ssyncset.done $0x0  }
0x15d: {  	[sflag:s19] =	ssyncadd.s32 $0xFFFFFC00  }
0x15e: {  	_ =	sfence.sel $0x180000  }
0x15f: {  	[bflag:$0x0] =	sbarrier.arrive $0xFFFF  }
0x160: {  	p0 =	sne.s32 s1, $0x0;
	_ =	strace $0x90000047  }
0x161: {  	s0 =	sadd.s32 @!p0 $0x100000, s0;
	[bflag:$0x2] =	sbarrier.arrive $0xFFFF  }
0x162: {  	[sflag:s0] =	ssyncadd.tile.s32 @!p0 $0x1;
	_ =	shalt  }
.Lfunc_end2:
_tile_overlayer_lowered:
.L_overlay_start_2:
0x163: {  	(tag) =	ssettag $0x2  }
0x164: {  	s0 =	rddreg [dreg:$0x0];
	s2 =	stileid.u32  }
0x165: {  	s1 =	rddreg [dreg:$0x1];
	p0 =	sne.s32 s2, $0x0  }
0x166: {  	s3 =	rddreg [dreg:$0x2];
	[bflag:$0x3] =	sbarrier.arrive $0xFFFF;
	s2 =	simm.s32 @!p0 $0x1C02  }
0x167: {  	[timem:s3], [sflag:s2] =	dma.local @!p0 [hbm:s0], s1  }
0x168: {  	s0 =	simm.s32 @!p0 $0x2  }
0x169: {  	_ =	swait.ge @!p0 [sflag:s0], s1  }
0x16a: {  	s1 =	ssub.s32 @!p0 $0x0, s1;
	[sflag:s0] =	ssyncset.done @!p0 $0x0  }
0x16b: {  	[sflag:s0] =	ssyncadd.s32 @!p0 s1  }
0x16c: {  	[bflag:$0x3] =	sbarrier.arrive $0xFFFF  }
0x16d: {  	_ =	shalt  }

// kernel: kernel.9.cloned.1.call-start
scs
__scs_entry_jumppad:
0x0: {  	(pc) =	sbr.rel $0x88, $3  }
0x1: {  	(tag) =	ssettag $0x0;
	lr =	simm.s32 $0x1  }
0x2: {  	[smem:$0x3F97] =	sst lr;
	_ =	strace $0xD0000000  }
0x3: {  	_ = 	snop  }
0x4: {  	_ = 	snop  }
0x5: {  	_ = 	snop  }
0x6: {  	_ = 	snop  }
0x7: {  	_ = 	snop  }
__scs_overlays_trampoline_lowered:
0x8: {  	[smem:$0x3FA6] =	sst s0  }
0x9: {  	[smem:$0x3FA7] =	sst s1  }
0xa: {  	[smem:$0x3FA8] =	sst s2  }
0xb: {  	[smem:$0x3FA9] =	sst s3  }
0xc: {  	[smem:$0x3FAA] =	sst s4  }
0xd: {  	[smem:$0x3FAB] =	sst s5  }
0xe: {  	[smem:$0x3FAC] =	sst s6  }
0xf: {  	[smem:$0x3FAD] =	sst s7  }
0x10: {  	[smem:$0x3FAE] =	sst s8  }
0x11: {  	[smem:$0x3FAF] =	sst s9;
	s0 =	simm.s32 @!p0 $0x0  }
0x12: {  	s1 =	sld [smem:$0x3F95];
	s0 =	simm.s32 @p0 $0x1  }
0x13: {  	[smem:$0x3FB0] =	sst s0;
	s0 =	simm.s32 @!p1 $0x0  }
0x14: {  	s2 =	sld [smem:$0x3F94];
	s0 =	simm.s32 @p1 $0x1  }
0x15: {  	[smem:$0x3FB1] =	sst s0;
	s0 =	simm.s32 @!p2 $0x0  }
0x16: {  	s3 =	sld [smem:$0x3FDB];
	s0 =	simm.s32 @p2 $0x1  }
0x17: {  	s4 =	simm.s32 $0x1BF5;
	[smem:$0x3FB3] =	sst s0  }
0x18: {  	s0 =	sld [smem:$0x3F96];
	_ =	swait.ge [sflag:s4], $0x0  }
0x19: {  	s7 =	sld [smem:$0x3F97]  }
0x1a: {  	s8 =	sadd.s32 $0xFFFFE003, lr  }
0x1b: {  	s9 =	sadd.s32 $0xFFFFFEF7, lr;
	s5 =	simm.s32 $0xFFFFFFFF;
	p2 =	slt.u32 s8, $0xFFFFF086  }
0x1c: {  	p1 =	slt.u32 s9, $0xF7A;
	s5 =	simm.s32 @!p2 $0x0  }
0x1d: {  	s5 =	simm.s32 @p1 $0x1;
	p0 =	seq.s32 s7, s2  }
0x1e: {  	s7 =	smul.u32 @!p0 $0xF7A, s2;
	p2 =	seq.s32 @!p0 s5, $0x0  }
0x1f: {  	s9 =	smul.u32 $0xF7A, s1;
	s8 =	simm.s32 @!p0 $0x1BF5;
	p2 =	por !p2, p0  }
0x20: {  	[sflag:s8] =	ssyncset.s32 @!p0 $0xFFFFF086;
	s6 =	sadd.s32 @!p0 s3, s7;
	s7 =	simm.s32 @!p0 $0x108  }
0x21: {  	s3 =	sadd.s32 s3, s9;
	s6 =	sadd.s32 @!p0 $0x88, s6;
	s7 =	simm.s32 @p2 $0x1082  }
0x22: {  	[simem:s7], [sflag:s8] =	dma.local @!p0 [hbm:s6], $0xF7A  }
0x23: {  	s9 =	sor.u32 $0xD0000000, s2;
	s6 =	simm.s32 $0x108;
	_ =	swait.ge @!p0 [sflag:s8], $0x0  }
0x24: {  	s3 =	sadd.s32 $0x88, s3;
	s6 =	simm.s32 @!p1 $0x1082;
	[sflag:s4] =	ssyncset.s32 $0xFFFFF086  }
0x25: {  	[simem:s6], [sflag:s4] =	dma.local [hbm:s3], $0xF7A  }
0x26: {  	[smem:$0x3F97] =	sst s1;
	(tag) =	ssettag s2;
	_ =	strace s9  }
0x27: {  	s1 =	sld [smem:$0x3FA7]  }
0x28: {  	s2 =	sld [smem:$0x3FA8]  }
0x29: {  	s4 =	sld [smem:$0x3FAA]  }
0x2a: {  	p0 =	seq.s32 s5, $0x0;
	s5 =	sld [smem:$0x3FAB]  }
0x2b: {  	s6 =	sld [smem:$0x3FAC]  }
0x2c: {  	s7 =	sld [smem:$0x3FAD]  }
0x2d: {  	s3 =	simm.s32 $0x108;
	s8 =	sld [smem:$0x3FAE]  }
0x2e: {  	s3 =	simm.s32 @!p0 $0x1082;
	s9 =	sld [smem:$0x3FAF]  }
0x2f: {  	lr =	sadd.s32 s0, s3;
	s0 =	sld [smem:$0x3FA6]  }
0x30: {  	s3 =	sld [smem:$0x3FA9]  }
0x31: {  	[smem:$0x3FB2] =	sst s10  }
0x32: {  	s10 =	sld [smem:$0x3FB0];
	_ =	sdelay $0x3  }
0x33: {  	p0 =	seq.s32 s10, $0x1;
	s10 =	sld [smem:$0x3FB2];
	_ =	sdelay $0x3  }
0x34: {  	[smem:$0x3FB2] =	sst s10  }
0x35: {  	s10 =	sld [smem:$0x3FB1];
	_ =	sdelay $0x3  }
0x36: {  	p1 =	seq.s32 s10, $0x1;
	s10 =	sld [smem:$0x3FB2];
	_ =	sdelay $0x3  }
0x37: {  	[smem:$0x3FB2] =	sst s10  }
0x38: {  	s10 =	sld [smem:$0x3FB3]  }
0x39: {  	_ = 	snop;
	(pc) =	sbr.ind lr, $3  }
0x3a: {  	_ = 	snop  }
0x3b: {  	_ = 	snop  }
0x3c: {  	p2 =	seq.s32 s10, $0x1;
	s10 =	sld [smem:$0x3FB2]  }
0x3d: {  	_ =	shalt  }
0x3e: {  	_ =	shalt  }
0x3f: {  	_ =	shalt  }
0x40: {  	_ =	shalt  }
0x41: {  	_ =	shalt  }
0x42: {  	_ =	shalt  }
0x43: {  	_ =	shalt  }
0x44: {  	_ =	shalt  }
0x45: {  	_ =	shalt  }
0x46: {  	_ =	shalt  }
0x47: {  	_ =	shalt  }
0x48: {  	_ =	shalt  }
0x49: {  	_ =	shalt  }
0x4a: {  	_ =	shalt  }
0x4b: {  	_ =	shalt  }
0x4c: {  	_ =	shalt  }
0x4d: {  	_ =	shalt  }
0x4e: {  	_ =	shalt  }
0x4f: {  	_ =	shalt  }
0x50: {  	_ =	shalt  }
0x51: {  	_ =	shalt  }
0x52: {  	_ =	shalt  }
0x53: {  	_ =	shalt  }
0x54: {  	_ =	shalt  }
0x55: {  	_ =	shalt  }
0x56: {  	_ =	shalt  }
0x57: {  	_ =	shalt  }
0x58: {  	_ =	shalt  }
0x59: {  	_ =	shalt  }
0x5a: {  	_ =	shalt  }
0x5b: {  	_ =	shalt  }
0x5c: {  	_ =	shalt  }
0x5d: {  	_ =	shalt  }
0x5e: {  	_ =	shalt  }
0x5f: {  	_ =	shalt  }
0x60: {  	_ =	shalt  }
0x61: {  	_ =	shalt  }
0x62: {  	_ =	shalt  }
0x63: {  	_ =	shalt  }
0x64: {  	_ =	shalt  }
0x65: {  	_ =	shalt  }
0x66: {  	_ =	shalt  }
0x67: {  	_ =	shalt  }
0x68: {  	_ =	shalt  }
0x69: {  	_ =	shalt  }
0x6a: {  	_ =	shalt  }
0x6b: {  	_ =	shalt  }
0x6c: {  	_ =	shalt  }
0x6d: {  	_ =	shalt  }
0x6e: {  	_ =	shalt  }
0x6f: {  	_ =	shalt  }
0x70: {  	_ =	shalt  }
0x71: {  	_ =	shalt  }
0x72: {  	_ =	shalt  }
0x73: {  	_ =	shalt  }
0x74: {  	_ =	shalt  }
0x75: {  	_ =	shalt  }
0x76: {  	_ =	shalt  }
0x77: {  	_ =	shalt  }
0x78: {  	_ =	shalt  }
0x79: {  	_ =	shalt  }
0x7a: {  	_ =	shalt  }
0x7b: {  	_ =	shalt  }
0x7c: {  	_ =	shalt  }
0x7d: {  	_ =	shalt  }
0x7e: {  	_ =	shalt  }
0x7f: {  	_ =	shalt  }
0x80: {  	_ =	shalt  }
0x81: {  	_ =	shalt  }
0x82: {  	_ =	shalt  }
0x83: {  	_ =	shalt  }
0x84: {  	_ =	shalt  }
0x85: {  	_ =	shalt  }
0x86: {  	_ =	shalt  }
0x87: {  	_ =	shalt  }
.Lfunc_end0:
.L_simem_size_0:
called_computation.1_lowered:
.L_overlay_start_0:
0x88: {  	s2 =	sld [smem:$0x3FD9]  }
0x89: {  	s3 =	sld [smem:$0x3FFE];
	_ =	sdelay $0x1  }
0x8a: {  	s1 =	srdreg.scid  }
0x8b: {  	s0 =	sand.u32 $0x1, s1  }
0x8c: {  	s17 =	sshll.u32 s0, $0xA;
	s2 =	sadd.s32 s3, s2  }
0x8d: {  	s2 =	sadd.s32 s2, s17  }
0x8e: {  	[smem:$0x3FBE] =	sst s2  }
0x8f: {  	_ = 	snop  }
0x90: {  	s2 =	sld [smem:$0x3FC7]  }
0x91: {  	s18 =	sld [smem:$0x3FD0];
	(tm) =	ssettm $0x1  }
0x92: {  	s4 =	sld [smem:$0x3FFB];
	_ =	sdelay $0x3  }
0x93: {  	_ =	strace s4  }
0x94: {  	s4 =	sld [smem:$0x3FFC];
	_ =	sdelay $0x3  }
0x95: {  	_ =	strace s4  }
0x96: {  	s4 =	sld [smem:$0x3FFD];
	_ =	sdelay $0x3  }
0x97: {  	_ =	strace s4  }
0x98: {  	_ =	strace $0x8FFFFFFF  }
0x99: {  	s19 =	sld [smem:$0x3FDB];
	_ =	sdelay $0x1  }
0x9a: {  	s5 =	simm.s32 $_scs_section_size  }
0x9b: {  	s6 =	simm.s32 $_size__tile_overlayer_lowered;
	s7 =	simm.s32 $_tile_overlayer_lowered  }
0x9c: {  	s22 =	simm.s32 $0x1BFF;
	s21 =	sshll.u32 s7, $0x1;
	s4 =	sadd.s32 s5, s19  }
0x9d: {  	s8 =	simm.s32 $0x0;
	s20 =	sshll.u32 s6, $0x1;
	s6 =	sadd.s32 s21, s4  }
0x9e: {  	[timem:s8], [sflag:s22] =	dma.local [hbm:s6], s20  }
0x9f: {  	_ =	swait.ge [sflag:s22], s20  }
0xa0: {  	s5 =	ssub.s32 $0x0, s20;
	[sflag:s22] =	ssyncset.done $0x0  }
0xa1: {  	[sflag:s22] =	ssyncadd.s32 s5;
	_ =	sdelay $0x1  }
0xa2: {  	s23 =	simm.s32 $0x1B8B  }
0xa3: {  	_ =	swait.ge [sflag:s23], $0x1  }
0xa4: {  	[sflag:s23] =	ssyncset.done $0x0  }
0xa5: {  	s25 =	simm.s32 $0x1B8E;
	s24 =	sld [smem:$0x3FFE];
	[sflag:s23] =	ssyncadd.s32 $0xFFFFFFFF  }
0xa6: {  	s26 =	simm.s32 $execute0_lowered;
	[smem:$0x3FD2] =	sst s25  }
0xa7: {  	s6 =	sshll.u32 s26, $0x1;
	_ =	strace $0x80000049;
	[dreg:$0x1] =	wrdreg $0xFFFFFFFF  }
0xa8: {  	s28 =	simm.s32 $_size_execute0_lowered;
	s4 =	sadd.s32 s4, s6;
	[dreg:$0x0] =	wrdreg $0x0  }
0xa9: {  	s6 =	sshll.u32 s28, $0x1;
	[dreg:$0x2] =	wrdreg s4  }
0xaa: {  	[dreg:$0x3] =	wrdreg s6  }
0xab: {  	[dreg:$0x4] =	wrdreg $0xC0  }
0xac: {  	_ =	task [dreg:s8], $0x5FFFF  }
0xad: {  	[dreg:$0x1] =	wrdreg $0xFFFFFFFF  }
0xae: {  	[dreg:$0x0] =	wrdreg $0x60  }
0xaf: {  	[dreg:$0x2] =	wrdreg s24  }
0xb0: {  	[dreg:$0x3] =	wrdreg s2  }
0xb1: {  	[dreg:$0x4] =	wrdreg s18  }
0xb2: {  	[dreg:$0x5] =	wrdreg $0x9  }
0xb3: {  	_ =	task.clear_ibuf [dreg:s8], $0x6FFFF;
	_ =	strace $0x90000049  }
0xb4: {  	s29 =	simm.s32 $0x9;
	_ =	strace $0x8000004B  }
0xb5: {  	_ =	swait.ge [sflag:s29], $0x1  }
0xb6: {  	[sflag:s29] =	ssyncadd.s32 $0xFFFFFFFF  }
0xb7: {  	_ =	strace $0x9000004B  }
0xb8: {  	_ =	sfence  }
0xb9: {  	s30 =	sld [smem:$0x0];
	_ =	sdelay $0x2  }
0xba: {  	s31 =	sshll.u32 s1, $0xD;
	s1 =	sshrl.u32 s1, $0x2  }
0xbb: {  	s3 =	sand.u32 $0x4000, s31;
	s1 =	sadd.s32 s1, s30  }
0xbc: {  	s0 =	sor.u32 s3, s0;
	s1 =	sshll.u32 s1, $0x11  }
0xbd: {  	s0 =	sor.u32 s1, s0  }
0xbe: {  	s0 =	sadd.s32 $0x8F2B, s0  }
0xbf: {  	[sflag:s0] =	ssyncadd.remote.s32 $0x1  }
0xc0: {  	_ =	sfence.sel $0xFFFF  }
0xc1: {  	[dreg:$0x0] =	wrdreg $0xFFFFFFFF;
	(pc) =	sbr.abs _section_cstart, $3  }
0xc2: {  	[dreg:$0x1] =	wrdreg $0xFFFFFFFF  }
0xc3: {  	_ =	task.clear_ibuf [dreg:s8], $0x2FFFF;
	_ =	strace $0x9FFFFFFF  }
0xc4: {  	(tm) =	ssettm $0x7FFFFFFF  }
0xc5: {  	_ =	shalt  }
tec
execute0_lowered:
.L_overlay_start_1:
0x0: {  	(tag) =	ssettag $0x1  }
0x1: {  	s6 =	rddreg [dreg:$0x0]  }
0x2: {  	s8 =	rddreg [dreg:$0x1]  }
0x3: {  	s9 =	rddreg [dreg:$0x2]  }
0x4: {  	s0 =	rddreg [dreg:$0x3]  }
0x5: {  	s3 =	srdreg.scid;
	s1 =	stileid.u32;
	s2 =	simm.s32 $0x0  }
0x6: {  	s13 =	simm.s32 $0x8800;
	s14 =	simm.s32 $0x8C00;
	s15 =	simm.s32 $0x8C80  }
0x7: {  	s16 =	simm.s32 $0xB400;
	s17 =	simm.s32 $0x1;
	s18 =	simm.s32 $0x8000  }
0x8: {  	s19 =	simm.s32 $0xDB80;
	s20 =	simm.s32 $0x2;
	s21 =	simm.s32 $0x10300  }
0x9: {  	s22 =	simm.s32 $0x0;
	s5 =	sand.u32 $0x1, s3;
	s31 =	sshll.u32 s1, $0x1  }
0xa: {  	[smem:$0x7FF] =	sst s2;
	s4 =	sadd.s32 $0xD000, s6;
	s3 =	sor.u32 s5, s31  }
0xb: {  	_ =	strace $0x8000004A;
	s7 =	ssub.s32 $0x2, s5;
	s10 =	smul.u32 $0x4E2, s3  }
0xc: {  	s5 =	sadd.s32 $0xD200, s6;
	s3 =	sadd.s32 $0x17200, s6;
	s12 =	sshrl.u32 s7, $0x1  }
0xd: {  	s12 =	ssub.s32 s7, s12;
	s11 =	sadd.s32 s10, s6;
	s6 =	sadd.s32 $0x2800, s6  }
0xe: {  	s8 =	sadd.s32 s8, s10;
	s9 =	sadd.s32 s9, s10;
	s7 =	sadd.s32 $0xD400, s11  }
0xf: {  	s10 =	sadd.s32 $0x2A00, s11;
	s11 =	smax.u32 s12, $0x1;
	s12 =	simm.s32 $0x8400  }
.LBB2_1:
0x10: {  	[tilespmem:s2], [sflag:$0x1] =	stream.linear.gather [hbm4b:s3+s2], $0x8000, $0x38;
	[tilespmem:$0x12A80] =	vst v63  }
0x11: {  	_ = 	snop  }
0x12: {  	[tilespmem:s12], [sflag:$0x1] =	stream.linear.gather [hbm4b:s4+s2], $0x400, $0x38;
	[tilespmem:$0x12A80] =	vst v63  }
0x13: {  	_ = 	snop  }
0x14: {  	[tilespmem:s13], [sflag:$0x1] =	stream.linear.gather [hbm4b:s5+s2], $0x400, $0x38;
	[tilespmem:$0x12A80] =	vst v63  }
0x15: {  	_ = 	snop  }
0x16: {  	[tilespmem:s14], [sflag:$0x1] =	stream.linear.gather [hbm4b:s6+s2], $0x80, $0x38;
	[tilespmem:$0x12A80] =	vst v63  }
0x17: {  	_ = 	snop  }
0x18: {  	[tilespmem:s15], [sflag:$0x1] =	stream.linear.gather [hbm4b:s7+s2], $0x2710, $0x38;
	[tilespmem:$0x12A80] =	vst v63  }
0x19: {  	_ = 	snop  }
0x1a: {  	[tilespmem:s16], [sflag:$0x1] =	stream.linear.gather [hbm4b:s8+s2], $0x2710, $0x38;
	[tilespmem:$0x12A80] =	vst v63  }
0x1b: {  	_ =	swait.ge [sflag:s17], $0x8000  }
0x1c: {  	[sflag:s17] =	ssyncset.done $0x0  }
0x1d: {  	[sflag:s17] =	ssyncadd.s32 $0xFFFF8000  }
0x1e: {  	_ =	swait.ge [sflag:s17], $0x400  }
0x1f: {  	[sflag:s17] =	ssyncset.done $0x0  }
0x20: {  	[sflag:s17] =	ssyncadd.s32 $0xFFFFFC00  }
0x21: {  	_ =	swait.ge [sflag:s17], $0x400  }
0x22: {  	[sflag:s17] =	ssyncset.done $0x0  }
0x23: {  	[sflag:s17] =	ssyncadd.s32 $0xFFFFFC00  }
0x24: {  	_ =	swait.ge [sflag:s17], $0x80  }
0x25: {  	[sflag:s17] =	ssyncset.done $0x0  }
0x26: {  	[sflag:s17] =	ssyncadd.s32 $0xFFFFFF80  }
0x27: {  	_ =	swait.ge [sflag:s17], $0x2710  }
0x28: {  	[sflag:s17] =	ssyncset.done $0x0  }
0x29: {  	[sflag:s17] =	ssyncadd.s32 $0xFFFFD8F0  }
0x2a: {  	_ =	swait.ge [sflag:s17], $0x2710  }
0x2b: {  	s23 =	sand.u32 $0x70, s2;
	s24 =	sand.u32 $0x1C00, s2;
	[sflag:s17] =	ssyncset.done $0x0  }
0x2c: {  	s23 =	sor.u32 s23, s24;
	[sflag:s17] =	ssyncadd.s32 $0xFFFFD8F0  }
0x2d: {  	v0 =	vld [tilespmem:s23+$0x0];
	_ =	sdelay $0x1  }
0x2e: {  	v1 =	vld [tilespmem:s23+$0x80];
	_ =	sdelay $0x1  }
0x2f: {  	v2 =	vld [tilespmem:s23+$0x100]  }
0x30: {  	v0 =	vadd.f32 $0.0e+00, v0  }
0x31: {  	v3 =	vld [tilespmem:s23+$0x180]  }
0x32: {  	v0 =	vadd.f32 v1, v0  }
0x33: {  	v1 =	vld [tilespmem:s23+$0x200]  }
0x34: {  	v0 =	vadd.f32 v2, v0  }
0x35: {  	v2 =	vld [tilespmem:s23+$0x280]  }
0x36: {  	v0 =	vadd.f32 v3, v0  }
0x37: {  	v3 =	vld [tilespmem:s23+$0x300]  }
0x38: {  	v0 =	vadd.f32 v1, v0  }
0x39: {  	v1 =	vld [tilespmem:s23+$0x380]  }
0x3a: {  	v0 =	vadd.f32 v2, v0  }
0x3b: {  	v2 =	vld [tilespmem:s23+$0x2000]  }
0x3c: {  	v0 =	vadd.f32 v3, v0  }
0x3d: {  	v3 =	vld [tilespmem:s23+$0x2080]  }
0x3e: {  	v0 =	vadd.f32 v1, v0  }
0x3f: {  	v1 =	vld [tilespmem:s23+$0x2100]  }
0x40: {  	v0 =	vadd.f32 v2, v0  }
0x41: {  	v2 =	vld [tilespmem:s23+$0x2180]  }
0x42: {  	v0 =	vadd.f32 v3, v0  }
0x43: {  	v3 =	vld [tilespmem:s23+$0x2200]  }
0x44: {  	v0 =	vadd.f32 v1, v0  }
0x45: {  	v1 =	vld [tilespmem:s23+$0x2280]  }
0x46: {  	v0 =	vadd.f32 v2, v0  }
0x47: {  	v2 =	vld [tilespmem:s23+$0x2300]  }
0x48: {  	v0 =	vadd.f32 v3, v0  }
0x49: {  	v3 =	vld [tilespmem:s23+$0x2380]  }
0x4a: {  	v0 =	vadd.f32 v1, v0  }
0x4b: {  	v1 =	vld [tilespmem:s23+$0x4000]  }
0x4c: {  	v0 =	vadd.f32 v2, v0  }
0x4d: {  	v2 =	vld [tilespmem:s23+$0x4080]  }
0x4e: {  	v0 =	vadd.f32 v3, v0  }
0x4f: {  	v3 =	vld [tilespmem:s23+$0x4100]  }
0x50: {  	v0 =	vadd.f32 v1, v0  }
0x51: {  	v1 =	vld [tilespmem:s23+$0x4180]  }
0x52: {  	v0 =	vadd.f32 v2, v0  }
0x53: {  	v2 =	vld [tilespmem:s23+$0x4200]  }
0x54: {  	v0 =	vadd.f32 v3, v0  }
0x55: {  	v3 =	vld [tilespmem:s23+$0x4280]  }
0x56: {  	v0 =	vadd.f32 v1, v0  }
0x57: {  	v1 =	vld [tilespmem:s23+$0x4300]  }
0x58: {  	v0 =	vadd.f32 v2, v0  }
0x59: {  	v2 =	vld [tilespmem:s23+$0x4380]  }
0x5a: {  	v0 =	vadd.f32 v3, v0  }
0x5b: {  	v3 =	vld [tilespmem:s23+$0x6000]  }
0x5c: {  	v0 =	vadd.f32 v1, v0  }
0x5d: {  	v1 =	vld [tilespmem:s23+$0x6080]  }
0x5e: {  	v0 =	vadd.f32 v2, v0  }
0x5f: {  	v2 =	vld [tilespmem:s23+$0x6100]  }
0x60: {  	v0 =	vadd.f32 v3, v0  }
0x61: {  	v3 =	vld [tilespmem:s23+$0x6180]  }
0x62: {  	v0 =	vadd.f32 v1, v0  }
0x63: {  	v1 =	vld [tilespmem:s23+$0x6200]  }
0x64: {  	v0 =	vadd.f32 v2, v0  }
0x65: {  	v2 =	vld [tilespmem:s23+$0x6280]  }
0x66: {  	v0 =	vadd.f32 v3, v0  }
0x67: {  	v3 =	vld [tilespmem:s23+$0x6300]  }
0x68: {  	v0 =	vadd.f32 v1, v0  }
0x69: {  	v1 =	vld [tilespmem:s23+$0x6380]  }
0x6a: {  	v2 =	vadd.f32 v2, v0  }
0x6b: {  	v0 =	vld [tilespmem:$0x8C00]  }
0x6c: {  	v2 =	vadd.f32 v3, v2;
	_ =	sdelay $0x1  }
0x6d: {  	v1 =	vadd.f32 v1, v2;
	_ =	sdelay $0x1  }
0x6e: {  	v1 =	vadd.f32 v1, v0;
	_ =	sdelay $0x1  }
0x6f: {  	(erf) = vrcp.f32 v1;
	_ =	sdelay $0x7  }
0x70: {  	s31 =	simm.s32 $0x10;
	s25 =	simm.s32 $0x20;
	s24 =	simm.s32 $0x80  }
0x71: {  	s26 =	sand.u32 $0x70, s31;
	s28 =	sand.u32 $0x1C00, s24;
	s23 =	simm.s32 $0x8000;
	v1 =	vpop (erf)  }
.LBB2_2:
0x72: {  	p0 =	sne.s32 s25, $0x3F0;
	s26 =	sor.u32 s26, s28;
	[tilespmem:s23+$0x0] =	vst v1  }
0x73: {  	v1 =	vld [tilespmem:s26+$0x0];
	_ =	sdelay $0x1  }
0x74: {  	v2 =	vld [tilespmem:s26+$0x80];
	_ =	sdelay $0x1  }
0x75: {  	v3 =	vld [tilespmem:s26+$0x100]  }
0x76: {  	v1 =	vadd.f32 $0.0e+00, v1  }
0x77: {  	v4 =	vld [tilespmem:s26+$0x180]  }
0x78: {  	v1 =	vadd.f32 v2, v1  }
0x79: {  	v2 =	vld [tilespmem:s26+$0x200]  }
0x7a: {  	v1 =	vadd.f32 v3, v1  }
0x7b: {  	v3 =	vld [tilespmem:s26+$0x280]  }
0x7c: {  	v1 =	vadd.f32 v4, v1  }
0x7d: {  	v4 =	vld [tilespmem:s26+$0x300]  }
0x7e: {  	v1 =	vadd.f32 v2, v1  }
0x7f: {  	v2 =	vld [tilespmem:s26+$0x380]  }
0x80: {  	v1 =	vadd.f32 v3, v1  }
0x81: {  	v3 =	vld [tilespmem:s26+$0x2000]  }
0x82: {  	v1 =	vadd.f32 v4, v1  }
0x83: {  	v4 =	vld [tilespmem:s26+$0x2080]  }
0x84: {  	v1 =	vadd.f32 v2, v1  }
0x85: {  	v2 =	vld [tilespmem:s26+$0x2100]  }
0x86: {  	v1 =	vadd.f32 v3, v1  }
0x87: {  	v3 =	vld [tilespmem:s26+$0x2180]  }
0x88: {  	v1 =	vadd.f32 v4, v1  }
0x89: {  	v4 =	vld [tilespmem:s26+$0x2200]  }
0x8a: {  	v1 =	vadd.f32 v2, v1  }
0x8b: {  	v2 =	vld [tilespmem:s26+$0x2280]  }
0x8c: {  	v1 =	vadd.f32 v3, v1  }
0x8d: {  	v3 =	vld [tilespmem:s26+$0x2300]  }
0x8e: {  	v1 =	vadd.f32 v4, v1  }
0x8f: {  	v4 =	vld [tilespmem:s26+$0x2380]  }
0x90: {  	v1 =	vadd.f32 v2, v1  }
0x91: {  	v2 =	vld [tilespmem:s26+$0x4000]  }
0x92: {  	v1 =	vadd.f32 v3, v1  }
0x93: {  	v3 =	vld [tilespmem:s26+$0x4080]  }
0x94: {  	v1 =	vadd.f32 v4, v1  }
0x95: {  	v4 =	vld [tilespmem:s26+$0x4100]  }
0x96: {  	v1 =	vadd.f32 v2, v1  }
0x97: {  	v2 =	vld [tilespmem:s26+$0x4180]  }
0x98: {  	v1 =	vadd.f32 v3, v1  }
0x99: {  	v3 =	vld [tilespmem:s26+$0x4200]  }
0x9a: {  	v1 =	vadd.f32 v4, v1  }
0x9b: {  	v4 =	vld [tilespmem:s26+$0x4280]  }
0x9c: {  	v1 =	vadd.f32 v2, v1  }
0x9d: {  	v2 =	vld [tilespmem:s26+$0x4300]  }
0x9e: {  	v1 =	vadd.f32 v3, v1  }
0x9f: {  	v3 =	vld [tilespmem:s26+$0x4380]  }
0xa0: {  	v1 =	vadd.f32 v4, v1  }
0xa1: {  	v4 =	vld [tilespmem:s26+$0x6000]  }
0xa2: {  	v1 =	vadd.f32 v2, v1  }
0xa3: {  	v2 =	vld [tilespmem:s26+$0x6080]  }
0xa4: {  	v1 =	vadd.f32 v3, v1  }
0xa5: {  	v3 =	vld [tilespmem:s26+$0x6100]  }
0xa6: {  	v1 =	vadd.f32 v4, v1  }
0xa7: {  	v4 =	vld [tilespmem:s26+$0x6180]  }
0xa8: {  	v1 =	vadd.f32 v2, v1  }
0xa9: {  	v2 =	vld [tilespmem:s26+$0x6200]  }
0xaa: {  	v1 =	vadd.f32 v3, v1  }
0xab: {  	v3 =	vld [tilespmem:s26+$0x6280]  }
0xac: {  	v1 =	vadd.f32 v4, v1  }
0xad: {  	v4 =	vld [tilespmem:s26+$0x6300]  }
0xae: {  	v1 =	vadd.f32 v2, v1  }
0xaf: {  	v2 =	vld [tilespmem:s26+$0x6380]  }
0xb0: {  	v1 =	vadd.f32 v3, v1;
	_ =	sdelay $0x1  }
0xb1: {  	v1 =	vadd.f32 v4, v1;
	_ =	sdelay $0x1  }
0xb2: {  	v1 =	vadd.f32 v2, v1;
	_ =	sdelay $0x1  }
0xb3: {  	v1 =	vadd.f32 v1, v0;
	_ =	sdelay $0x1  }
0xb4: {  	(erf) = vrcp.f32 v1;
	_ =	sdelay $0x4  }
.Ltmp0:
0xb5: {  	(pc) =	sbr.rel @p0 .LBB2_2-.Ltmp0, $3  }
0xb6: {  	_ =	sdelay $0x1  }
0xb7: {  	s24 =	sadd.s32 $0x80, s24;
	s23 =	sadd.s32 $0x10, s23  }
0xb8: {  	s28 =	sand.u32 $0x1C00, s24;
	s26 =	sand.u32 $0x70, s25;
	s25 =	sadd.s32 $0x10, s25;
	v1 =	vpop (erf)  }
0xb9: {  	s24 =	sor.u32 s26, s28;
	[tilespmem:s23+$0x0] =	vst v1  }
0xba: {  	v1 =	vld [tilespmem:s24+$0x0];
	_ =	sdelay $0x1  }
0xbb: {  	v2 =	vld [tilespmem:s24+$0x80];
	_ =	sdelay $0x1  }
0xbc: {  	v3 =	vld [tilespmem:s24+$0x100]  }
0xbd: {  	v1 =	vadd.f32 $0.0e+00, v1  }
0xbe: {  	v4 =	vld [tilespmem:s24+$0x180]  }
0xbf: {  	v1 =	vadd.f32 v2, v1  }
0xc0: {  	v2 =	vld [tilespmem:s24+$0x200]  }
0xc1: {  	v1 =	vadd.f32 v3, v1  }
0xc2: {  	v3 =	vld [tilespmem:s24+$0x280]  }
0xc3: {  	v1 =	vadd.f32 v4, v1  }
0xc4: {  	v55 =	vld [tilespmem:s24+$0x300]  }
0xc5: {  	v1 =	vadd.f32 v2, v1  }
0xc6: {  	v2 =	vld [tilespmem:s24+$0x380]  }
0xc7: {  	v1 =	vadd.f32 v3, v1  }
0xc8: {  	v3 =	vld [tilespmem:s24+$0x2000]  }
0xc9: {  	v1 =	vadd.f32 v55, v1  }
0xca: {  	v56 =	vld [tilespmem:s24+$0x2080]  }
0xcb: {  	v1 =	vadd.f32 v2, v1  }
0xcc: {  	v2 =	vld [tilespmem:s24+$0x2100]  }
0xcd: {  	v1 =	vadd.f32 v3, v1  }
0xce: {  	v3 =	vld [tilespmem:s24+$0x2180]  }
0xcf: {  	v1 =	vadd.f32 v56, v1  }
0xd0: {  	v57 =	vld [tilespmem:s24+$0x2200]  }
0xd1: {  	v1 =	vadd.f32 v2, v1  }
0xd2: {  	v2 =	vld [tilespmem:s24+$0x2280]  }
0xd3: {  	v1 =	vadd.f32 v3, v1  }
0xd4: {  	v3 =	vld [tilespmem:s24+$0x2300]  }
0xd5: {  	v1 =	vadd.f32 v57, v1  }
0xd6: {  	v58 =	vld [tilespmem:s24+$0x2380]  }
0xd7: {  	v1 =	vadd.f32 v2, v1  }
0xd8: {  	v2 =	vld [tilespmem:s24+$0x4000]  }
0xd9: {  	v1 =	vadd.f32 v3, v1  }
0xda: {  	v3 =	vld [tilespmem:s24+$0x4080]  }
0xdb: {  	v1 =	vadd.f32 v58, v1  }
0xdc: {  	v59 =	vld [tilespmem:s24+$0x4100]  }
0xdd: {  	v1 =	vadd.f32 v2, v1  }
0xde: {  	v2 =	vld [tilespmem:s24+$0x4180]  }
0xdf: {  	v1 =	vadd.f32 v3, v1  }
0xe0: {  	v3 =	vld [tilespmem:s24+$0x4200]  }
0xe1: {  	v1 =	vadd.f32 v59, v1  }
0xe2: {  	v60 =	vld [tilespmem:s24+$0x4280]  }
0xe3: {  	v1 =	vadd.f32 v2, v1  }
0xe4: {  	v2 =	vld [tilespmem:s24+$0x4300]  }
0xe5: {  	v1 =	vadd.f32 v3, v1  }
0xe6: {  	v3 =	vld [tilespmem:s24+$0x4380]  }
0xe7: {  	v1 =	vadd.f32 v60, v1  }
0xe8: {  	v61 =	vld [tilespmem:s24+$0x6000]  }
0xe9: {  	v1 =	vadd.f32 v2, v1  }
0xea: {  	v2 =	vld [tilespmem:s24+$0x6080]  }
0xeb: {  	v1 =	vadd.f32 v3, v1  }
0xec: {  	v3 =	vld [tilespmem:s24+$0x6100]  }
0xed: {  	v1 =	vadd.f32 v61, v1  }
0xee: {  	v62 =	vld [tilespmem:s24+$0x6180]  }
0xef: {  	v1 =	vadd.f32 v2, v1  }
0xf0: {  	v2 =	vld [tilespmem:s24+$0x6200]  }
0xf1: {  	v1 =	vadd.f32 v3, v1  }
0xf2: {  	v3 =	vld [tilespmem:s24+$0x6280]  }
0xf3: {  	v1 =	vadd.f32 v62, v1  }
0xf4: {  	v63 =	vld [tilespmem:s24+$0x6300]  }
0xf5: {  	v1 =	vadd.f32 v2, v1  }
0xf6: {  	v2 =	vld [tilespmem:s24+$0x6380]  }
0xf7: {  	v1 =	vadd.f32 v3, v1;
	_ =	sdelay $0x1  }
0xf8: {  	v1 =	vadd.f32 v63, v1;
	_ =	sdelay $0x1  }
0xf9: {  	v1 =	vadd.f32 v2, v1;
	_ =	sdelay $0x1  }
0xfa: {  	v0 =	vadd.f32 v1, v0;
	_ =	sdelay $0x1  }
0xfb: {  	(erf) = vrcp.f32 v0;
	_ =	sdelay $0x8  }
0xfc: {  	s31 =	sadd.s32 $0x10, s23;
	v0 =	vpop (erf)  }
0xfd: {  	s23 =	simm.s32 $0x0;
	[tilespmem:s31+$0x0] =	vst v0  }
0xfe: {  	v0 =	vld [tilespmem:s23+$0xB400];
	_ =	sdelay $0x6  }
0xff: {  	v1 =	vld [tilespmem:s23+$0x8C80]  }
0x100: {  	v2 =	vld.idx.msk [tilespmem:v0+s18+$0x0], $0xffff;
	_ =	sdelay $0x1  }
0x101: {  	v3 =	vld.idx.msk [tilespmem:v0+s12+$0x0], $0xffff;
	_ =	sdelay $0x2  }
0x102: {  	v1 =	vmul.f32 v2, v1;
	_ =	sdelay $0x1  }
0x103: {  	v2 =	vmul.f32 v3, v1;
	_ =	sdelay $0x1  }
0x104: {  	[tilespmem:s23+$0xDB80] =	vst v2;
	v2 =	vld [tilespmem:s23+$0xB410]  }
0x105: {  	v0 =	vld.idx.msk [tilespmem:v0+s13+$0x0], $0xffff;
	_ =	sdelay $0x4  }
0x106: {  	v0 =	vmul.f32 v0, v1;
	_ =	sdelay $0x1  }
0x107: {  	v1 =	vld [tilespmem:s23+$0x8C90];
	[tilespmem:s23+$0x10300] =	vst v0  }
0x108: {  	v0 =	vld.idx.msk [tilespmem:v2+s18+$0x0], $0xffff;
	_ =	sdelay $0x1  }
0x109: {  	v3 =	vld.idx.msk [tilespmem:v2+s12+$0x0], $0xffff;
	_ =	sdelay $0x2  }
0x10a: {  	v0 =	vmul.f32 v0, v1;
	_ =	sdelay $0x1  }
0x10b: {  	v1 =	vmul.f32 v3, v0;
	_ =	sdelay $0x1  }
0x10c: {  	[tilespmem:s23+$0xDB90] =	vst v1  }
0x10d: {  	v1 =	vld.idx.msk [tilespmem:v2+s13+$0x0], $0xffff  }
0x10e: {  	v2 =	vld [tilespmem:s23+$0xB420];
	_ =	sdelay $0x4  }
0x10f: {  	v0 =	vmul.f32 v1, v0;
	_ =	sdelay $0x1  }
0x110: {  	v1 =	vld [tilespmem:s23+$0x8CA0];
	[tilespmem:s23+$0x10310] =	vst v0  }
0x111: {  	v0 =	vld.idx.msk [tilespmem:v2+s18+$0x0], $0xffff;
	_ =	sdelay $0x1  }
0x112: {  	v3 =	vld.idx.msk [tilespmem:v2+s12+$0x0], $0xffff;
	_ =	sdelay $0x2  }
0x113: {  	v0 =	vmul.f32 v0, v1;
	_ =	sdelay $0x1  }
0x114: {  	v1 =	vmul.f32 v3, v0;
	_ =	sdelay $0x1  }
0x115: {  	[tilespmem:s23+$0xDBA0] =	vst v1  }
0x116: {  	v1 =	vld.idx.msk [tilespmem:v2+s13+$0x0], $0xffff  }
0x117: {  	v2 =	vld [tilespmem:s23+$0xB430];
	_ =	sdelay $0x4  }
0x118: {  	v0 =	vmul.f32 v1, v0;
	_ =	sdelay $0x1  }
0x119: {  	v1 =	vld [tilespmem:s23+$0x8CB0];
	[tilespmem:s23+$0x10320] =	vst v0  }
0x11a: {  	v0 =	vld.idx.msk [tilespmem:v2+s18+$0x0], $0xffff;
	_ =	sdelay $0x1  }
0x11b: {  	v3 =	vld.idx.msk [tilespmem:v2+s12+$0x0], $0xffff;
	_ =	sdelay $0x2  }
0x11c: {  	v0 =	vmul.f32 v0, v1;
	_ =	sdelay $0x1  }
0x11d: {  	v1 =	vmul.f32 v3, v0;
	_ =	sdelay $0x1  }
0x11e: {  	[tilespmem:s23+$0xDBB0] =	vst v1  }
0x11f: {  	v1 =	vld.idx.msk [tilespmem:v2+s13+$0x0], $0xffff  }
0x120: {  	v2 =	vld [tilespmem:s23+$0xB440];
	_ =	sdelay $0x4  }
0x121: {  	v0 =	vmul.f32 v1, v0;
	_ =	sdelay $0x1  }
0x122: {  	v1 =	vld [tilespmem:s23+$0x8CC0];
	[tilespmem:s23+$0x10330] =	vst v0  }
0x123: {  	v0 =	vld.idx.msk [tilespmem:v2+s18+$0x0], $0xffff;
	_ =	sdelay $0x1  }
0x124: {  	v3 =	vld.idx.msk [tilespmem:v2+s12+$0x0], $0xffff;
	_ =	sdelay $0x2  }
0x125: {  	v0 =	vmul.f32 v0, v1;
	_ =	sdelay $0x1  }
0x126: {  	v1 =	vmul.f32 v3, v0;
	_ =	sdelay $0x1  }
0x127: {  	[tilespmem:s23+$0xDBC0] =	vst v1  }
0x128: {  	s25 =	simm.s32 $0x50;
	s24 =	simm.s32 $0x280;
	v1 =	vld.idx.msk [tilespmem:v2+s13+$0x0], $0xffff  }
.LBB2_4:
0x129: {  	p0 =	sne.s32 s24, $0x9B00;
	v2 =	vld [tilespmem:s25+$0xB400];
	_ =	sdelay $0x4  }
0x12a: {  	v0 =	vmul.f32 v1, v0;
	_ =	sdelay $0x1  }
0x12b: {  	v1 =	vld [tilespmem:s25+$0x8C80];
	[tilespmem:s23+$0x10340] =	vst v0;
	s23 =	smov.u32 s25  }
0x12c: {  	v0 =	vld.idx.msk [tilespmem:v2+s18+$0x0], $0xffff  }
0x12d: {  	v3 =	vld.idx.msk [tilespmem:v2+s12+$0x0], $0xffff;
	_ =	sdelay $0x4  }
0x12e: {  	v0 =	vmul.f32 v0, v1;
	_ =	sdelay $0x1  }
0x12f: {  	v1 =	vmul.f32 v3, v0;
	_ =	sdelay $0x1  }
0x130: {  	[tilespmem:s23+$0xDB80] =	vst v1  }
0x131: {  	v1 =	vld.idx.msk [tilespmem:v2+s13+$0x0], $0xffff  }
0x132: {  	v2 =	vld [tilespmem:s23+$0xB410];
	_ =	sdelay $0x4  }
0x133: {  	v0 =	vmul.f32 v1, v0;
	_ =	sdelay $0x1  }
0x134: {  	[tilespmem:s23+$0x10300] =	vst v0  }
0x135: {  	v0 =	vld.idx.msk [tilespmem:v2+s18+$0x0], $0xffff  }
0x136: {  	v1 =	vld [tilespmem:s23+$0x8C90]  }
0x137: {  	v3 =	vld.idx.msk [tilespmem:v2+s12+$0x0], $0xffff;
	_ =	sdelay $0x3  }
0x138: {  	v0 =	vmul.f32 v0, v1;
	_ =	sdelay $0x1  }
0x139: {  	v1 =	vmul.f32 v3, v0;
	_ =	sdelay $0x1  }
0x13a: {  	[tilespmem:s23+$0xDB90] =	vst v1  }
0x13b: {  	v1 =	vld.idx.msk [tilespmem:v2+s13+$0x0], $0xffff  }
0x13c: {  	v2 =	vld [tilespmem:s23+$0xB420];
	_ =	sdelay $0x4  }
0x13d: {  	v0 =	vmul.f32 v1, v0;
	_ =	sdelay $0x1  }
0x13e: {  	[tilespmem:s23+$0x10310] =	vst v0  }
0x13f: {  	v0 =	vld.idx.msk [tilespmem:v2+s18+$0x0], $0xffff  }
0x140: {  	v1 =	vld [tilespmem:s23+$0x8CA0]  }
0x141: {  	v3 =	vld.idx.msk [tilespmem:v2+s12+$0x0], $0xffff;
	_ =	sdelay $0x3  }
0x142: {  	v0 =	vmul.f32 v0, v1;
	_ =	sdelay $0x1  }
0x143: {  	v1 =	vmul.f32 v3, v0;
	_ =	sdelay $0x1  }
0x144: {  	[tilespmem:s23+$0xDBA0] =	vst v1  }
0x145: {  	v1 =	vld.idx.msk [tilespmem:v2+s13+$0x0], $0xffff  }
0x146: {  	v2 =	vld [tilespmem:s23+$0xB430];
	_ =	sdelay $0x4  }
0x147: {  	v0 =	vmul.f32 v1, v0;
	_ =	sdelay $0x1  }
0x148: {  	[tilespmem:s23+$0x10320] =	vst v0  }
0x149: {  	v0 =	vld.idx.msk [tilespmem:v2+s18+$0x0], $0xffff  }
0x14a: {  	v1 =	vld [tilespmem:s23+$0x8CB0]  }
0x14b: {  	v3 =	vld.idx.msk [tilespmem:v2+s12+$0x0], $0xffff;
	_ =	sdelay $0x3  }
0x14c: {  	v0 =	vmul.f32 v0, v1;
	_ =	sdelay $0x1  }
0x14d: {  	v1 =	vmul.f32 v3, v0;
	_ =	sdelay $0x1  }
0x14e: {  	[tilespmem:s23+$0xDBB0] =	vst v1  }
0x14f: {  	v1 =	vld.idx.msk [tilespmem:v2+s13+$0x0], $0xffff  }
0x150: {  	v2 =	vld [tilespmem:s23+$0xB440];
	_ =	sdelay $0x4  }
0x151: {  	v0 =	vmul.f32 v1, v0;
	_ =	sdelay $0x1  }
0x152: {  	[tilespmem:s23+$0x10330] =	vst v0  }
0x153: {  	v0 =	vld.idx.msk [tilespmem:v2+s18+$0x0], $0xffff  }
0x154: {  	v1 =	vld [tilespmem:s23+$0x8CC0]  }
0x155: {  	v3 =	vld.idx.msk [tilespmem:v2+s12+$0x0], $0xffff;
	_ =	sdelay $0x3  }
0x156: {  	v0 =	vmul.f32 v0, v1  }
.Ltmp1:
0x157: {  	(pc) =	sbr.rel @p0 .LBB2_4-.Ltmp1, $3  }
0x158: {  	v1 =	vmul.f32 v3, v0;
	_ =	sdelay $0x1  }
0x159: {  	[tilespmem:s23+$0xDBC0] =	vst v1  }
0x15a: {  	s25 =	sshra.s32 s24, $0x2;
	s24 =	sadd.s32 $0x140, s24;
	v1 =	vld.idx.msk [tilespmem:v2+s13+$0x0], $0xffff  }
0x15b: {  	v2 =	vld [tilespmem:s25+$0xB400];
	_ =	sdelay $0x4  }
0x15c: {  	v0 =	vmul.f32 v1, v0;
	_ =	sdelay $0x1  }
0x15d: {  	v51 =	vld [tilespmem:s25+$0x8C80];
	[tilespmem:s23+$0x10340] =	vst v0  }
0x15e: {  	v0 =	vld.idx.msk [tilespmem:v2+s18+$0x0], $0xffff;
	_ =	sdelay $0x1  }
0x15f: {  	v3 =	vld.idx.msk [tilespmem:v2+s12+$0x0], $0xffff;
	_ =	sdelay $0x2  }
0x160: {  	v0 =	vmul.f32 v0, v51;
	_ =	sdelay $0x1  }
0x161: {  	v1 =	vmul.f32 v3, v0;
	_ =	sdelay $0x1  }
0x162: {  	v52 =	vld [tilespmem:s25+$0xB410];
	[tilespmem:s25+$0xDB80] =	vst v1  }
0x163: {  	v1 =	vld.idx.msk [tilespmem:v2+s13+$0x0], $0xffff;
	_ =	sdelay $0x4  }
0x164: {  	v0 =	vmul.f32 v1, v0;
	_ =	sdelay $0x1  }
0x165: {  	v53 =	vld [tilespmem:s25+$0x8C90];
	[tilespmem:s25+$0x10300] =	vst v0  }
0x166: {  	v0 =	vld.idx.msk [tilespmem:v52+s18+$0x0], $0xffff;
	_ =	sdelay $0x1  }
0x167: {  	v54 =	vld.idx.msk [tilespmem:v52+s12+$0x0], $0xffff;
	_ =	sdelay $0x2  }
0x168: {  	v0 =	vmul.f32 v0, v53;
	_ =	sdelay $0x1  }
0x169: {  	v1 =	vmul.f32 v54, v0;
	_ =	sdelay $0x1  }
0x16a: {  	v55 =	vld [tilespmem:s25+$0xB420];
	[tilespmem:s25+$0xDB90] =	vst v1  }
0x16b: {  	v1 =	vld.idx.msk [tilespmem:v52+s13+$0x0], $0xffff;
	_ =	sdelay $0x4  }
0x16c: {  	v0 =	vmul.f32 v1, v0;
	_ =	sdelay $0x1  }
0x16d: {  	v56 =	vld [tilespmem:s25+$0x8CA0];
	[tilespmem:s25+$0x10310] =	vst v0  }
0x16e: {  	v0 =	vld.idx.msk [tilespmem:v55+s18+$0x0], $0xffff;
	_ =	sdelay $0x1  }
0x16f: {  	v57 =	vld.idx.msk [tilespmem:v55+s12+$0x0], $0xffff;
	_ =	sdelay $0x2  }
0x170: {  	v0 =	vmul.f32 v0, v56;
	_ =	sdelay $0x1  }
0x171: {  	v1 =	vmul.f32 v57, v0;
	_ =	sdelay $0x1  }
0x172: {  	v58 =	vld [tilespmem:s25+$0xB430];
	[tilespmem:s25+$0xDBA0] =	vst v1  }
0x173: {  	v1 =	vld.idx.msk [tilespmem:v55+s13+$0x0], $0xffff;
	_ =	sdelay $0x4  }
0x174: {  	v0 =	vmul.f32 v1, v0;
	_ =	sdelay $0x1  }
0x175: {  	v59 =	vld [tilespmem:s25+$0x8CB0];
	[tilespmem:s25+$0x10320] =	vst v0  }
0x176: {  	v0 =	vld.idx.msk [tilespmem:v58+s18+$0x0], $0xffff;
	_ =	sdelay $0x1  }
0x177: {  	v60 =	vld.idx.msk [tilespmem:v58+s12+$0x0], $0xffff;
	_ =	sdelay $0x2  }
0x178: {  	v0 =	vmul.f32 v0, v59;
	_ =	sdelay $0x1  }
0x179: {  	v1 =	vmul.f32 v60, v0;
	_ =	sdelay $0x1  }
0x17a: {  	v61 =	vld [tilespmem:s25+$0xB440];
	[tilespmem:s25+$0xDBB0] =	vst v1  }
0x17b: {  	v1 =	vld.idx.msk [tilespmem:v58+s13+$0x0], $0xffff;
	_ =	sdelay $0x4  }
0x17c: {  	v0 =	vmul.f32 v1, v0;
	_ =	sdelay $0x1  }
0x17d: {  	v62 =	vld [tilespmem:s25+$0x8CC0];
	[tilespmem:s25+$0x10330] =	vst v0  }
0x17e: {  	v0 =	vld.idx.msk [tilespmem:v61+s18+$0x0], $0xffff;
	_ =	sdelay $0x1  }
0x17f: {  	v63 =	vld.idx.msk [tilespmem:v61+s12+$0x0], $0xffff;
	_ =	sdelay $0x2  }
0x180: {  	v0 =	vmul.f32 v0, v62;
	_ =	sdelay $0x1  }
0x181: {  	v1 =	vmul.f32 v63, v0;
	_ =	sdelay $0x1  }
0x182: {  	[tilespmem:s25+$0xDBC0] =	vst v1  }
0x183: {  	v1 =	vld.idx.msk [tilespmem:v61+s13+$0x0], $0xffff;
	_ =	sdelay $0x4  }
0x184: {  	v0 =	vmul.f32 v1, v0;
	_ =	sdelay $0x1  }
0x185: {  	[tilespmem:s25+$0x10340] =	vst v0  }
0x186: {  	[hbm4b:s9+s2] =	stream.linear.scatter [tilespmem:s19], [sflag:$0x2], $0x2710, $0x38;
	[tilespmem:$0x12A80] =	vst v63  }
0x187: {  	s22 =	sadd.s32 $0x1, s22;
	_ =	swait.ge [sflag:s20], $0x2710  }
0x188: {  	p0 =	sne.s32 s22, s11;
	[sflag:s20] =	ssyncset.done $0x0  }
.Ltmp2:
0x189: {  	[sflag:s20] =	ssyncadd.s32 $0xFFFFD8F0;
	(pc) =	sbr.rel @p0 .LBB2_1-.Ltmp2, $4  }
0x18a: {  	[hbm4b:s10+s2] =	stream.linear.scatter [tilespmem:s21], [sflag:$0x2], $0x2710, $0x38;
	[tilespmem:$0x12A80] =	vst v63  }
0x18b: {  	_ =	swait.ge [sflag:s20], $0x2710  }
0x18c: {  	[sflag:s20] =	ssyncset.done $0x0  }
0x18d: {  	[sflag:s20] =	ssyncadd.s32 $0xFFFFD8F0  }
0x18e: {  	_ =	sfence.sel $0x180000  }
0x18f: {  	[bflag:$0x0] =	sbarrier.arrive $0xFFFF  }
0x190: {  	p0 =	sne.s32 s1, $0x0;
	_ =	strace $0x9000004A  }
0x191: {  	s0 =	sadd.s32 @!p0 $0x100000, s0;
	[bflag:$0x2] =	sbarrier.arrive $0xFFFF  }
0x192: {  	[sflag:s0] =	ssyncadd.tile.s32 @!p0 $0x1;
	_ =	shalt  }
.Lfunc_end2:
_tile_overlayer_lowered:
.L_overlay_start_2:
0x193: {  	(tag) =	ssettag $0x2  }
0x194: {  	s0 =	rddreg [dreg:$0x0];
	s2 =	stileid.u32  }
0x195: {  	s1 =	rddreg [dreg:$0x1];
	p0 =	sne.s32 s2, $0x0  }
0x196: {  	s3 =	rddreg [dreg:$0x2];
	[bflag:$0x3] =	sbarrier.arrive $0xFFFF;
	s2 =	simm.s32 @!p0 $0x1C02  }
0x197: {  	[timem:s3], [sflag:s2] =	dma.local @!p0 [hbm:s0], s1  }
0x198: {  	s0 =	simm.s32 @!p0 $0x2  }
0x199: {  	_ =	swait.ge @!p0 [sflag:s0], s1  }
0x19a: {  	s1 =	ssub.s32 @!p0 $0x0, s1;
	[sflag:s0] =	ssyncset.done @!p0 $0x0  }
0x19b: {  	[sflag:s0] =	ssyncadd.s32 @!p0 s1  }
0x19c: {  	[bflag:$0x3] =	sbarrier.arrive $0xFFFF  }
0x19d: {  	_ =	shalt  }

</sc_bundles>
